<compile_context>
chip_gen: v7x
topology: tpu7x:2x2x1
jax: 0.10.2.dev20260603
libtpu: 0.0.44.dev20260713+nightly
codegen_flags: <defaults>
</compile_context>

<pallas_src>
import functools

import jax
import jax.numpy as jnp
from jax import lax
from jax.experimental import pallas as pl
from jax.experimental.pallas import tpu as pltpu
from jax.experimental.pallas import tpu_sc as plsc

_FIELD_DIM = 100000
_IDX_ROW = 128
_BLK = 4096
_SUB = _BLK // 4

_NC = 2
_NS = 16
_NW = _NC * _NS


import numpy as _np

_SELS = []
for _a in range(4):
    _s = _np.zeros((32, 128), _np.float32)
    _s[_np.arange(32), 32 * _a + _np.arange(32)] = 1.0
    _SELS.append(_s)


def _detile(tt):
    emb, n_rows = tt.shape
    n_blocks = pl.cdiv(n_rows, _BLK)

    def body(a0, a1, a2, a3, s0, s1, s2, s3, o_ref):
        acc = None
        for a_ref, s_ref in ((a0, s0), (a1, s1), (a2, s2), (a3, s3)):
            d = jax.lax.dot_general(
                a_ref[...], s_ref[...],
                dimension_numbers=(((0,), (0,)), ((), ())),
                preferred_element_type=jnp.float32,
                precision=jax.lax.Precision.HIGHEST)
            acc = d if acc is None else acc + d
        o_ref[...] = acc

    in_specs = [
        pl.BlockSpec((emb, _SUB), lambda i, a=a: (0, 4 * i + a))
        for a in range(4)
    ] + [pl.BlockSpec((32, 128), lambda i: (0, 0)) for _ in range(4)]
    sels = [jnp.asarray(s) for s in _SELS]
    return pl.pallas_call(
        body,
        grid=(n_blocks,),
        in_specs=in_specs,
        out_specs=pl.BlockSpec((_SUB, 128), lambda i: (i, 0)),
        out_shape=jax.ShapeDtypeStruct((n_blocks * _SUB, 128), jnp.float32),
    )(tt, tt, tt, tt, *sels)


def _sc_gather(x128, linv, nf):
    batch = x128.shape[0]
    emb = 32
    rows_w = batch // _NW
    n_g = rows_w // _IDX_ROW

    mesh = plsc.VectorSubcoreMesh(core_axis_name="c", subcore_axis_name="s")

    @functools.partial(
        pl.kernel,
        mesh=mesh,
        out_type=jax.ShapeDtypeStruct((batch, nf, emb), jnp.float32),
        scratch_types=[
            pltpu.VMEM((rows_w, 128), jnp.int32),
            pltpu.VMEM((rows_w,), jnp.int32),
            pltpu.VMEM((rows_w, 1, emb), jnp.float32),
            pltpu.SemaphoreType.DMA,
        ],
        compiler_params=pltpu.CompilerParams(
            use_tc_tiling_on_sc=False, needs_layout_passes=False),
    )
    def body(x_hbm, lin_hbm, out_hbm, xs_v, idx_v, rows_v, sem):
        wid = lax.axis_index("s") * _NC + lax.axis_index("c")
        b0 = wid * rows_w
        pltpu.sync_copy(x_hbm.at[pl.ds(b0, rows_w)], xs_v)

        def field_body(j, carry):
            jv = jnp.full((16,), 0, jnp.int32) + j
            off = j * _FIELD_DIM
            for k in range(rows_w // 16):
                riv = jax.lax.iota(jnp.int32, 16) + (k * 16)
                r = plsc.load_gather(xs_v, [riv, jv]) + off
                q = (
                    lax.shift_left(lax.shift_right_logical(r, 12), 12)
                    + lax.shift_left(r & jnp.int32(1023), 2)
                    + (lax.shift_right_logical(r, 10) & jnp.int32(3))
                )
                idx_v[pl.ds(k * 16, 16)] = q
            copies = [
                pltpu.async_copy(
                    lin_hbm.at[idx_v.at[pl.ds(k * _IDX_ROW, _IDX_ROW)]],
                    rows_v.at[pl.ds(k * _IDX_ROW, _IDX_ROW), 0],
                    sem,
                )
                for k in range(n_g)
            ]
            for cp in copies:
                cp.wait()
            pltpu.sync_copy(rows_v, out_hbm.at[pl.ds(b0, rows_w), pl.ds(j, 1)])
            return carry

        lax.fori_loop(0, nf, field_body, 0)

    return body(x128, linv)


def kernel(x, table):
    nf = x.shape[1]
    x128 = jnp.pad(x, ((0, 0), (0, 128 - nf)))
    tt = table.T
    pad_cols = (-tt.shape[1]) % _BLK
    tt = jnp.pad(tt, ((0, 0), (0, pad_cols)))
    lin = _detile(tt)
    linv = lin.reshape(lin.shape[0] * 4, 32)
    return _sc_gather(x128, linv, nf)

# --- scband reference (transcript-rebuilt; emitter-appended) ---
"""Pipeline reference for scband-sparse-features-embedding-3066606649515 (READ-ONLY COPY).

The authoritative reference and input builder live on the scoring server;
editing this copy changes nothing except your own understanding.
"""

import jax, jax.numpy as jnp
import numpy as np

FIELD_DIMS = [100000] * 26
EMBED_DIM = 32
BATCH = 16384
TOTAL_ROWS = int(np.sum(FIELD_DIMS))


def setup_inputs(seed: int = 0) -> dict:
    key = jax.random.key(seed)
    k1, k2 = jax.random.split(key)
    # per-field indices in [0, field_dim); offsets applied inside reference
    x = jax.random.randint(k1, (BATCH, len(FIELD_DIMS)), 0, 100000, dtype=jnp.int32)
    table = jax.random.normal(k2, (TOTAL_ROWS, EMBED_DIM), dtype=jnp.float32) * 0.01
    return {"x": x, "table": table}


def reference(x, table):
    # offsets = (0, cumsum(field_dims)[:-1]) as in the torch module
    offsets = jnp.asarray(np.concatenate(([0], np.cumsum(FIELD_DIMS)[:-1])), dtype=x.dtype)
    idx = x + offsets[None, :]
    # embedding lookup -> gather rows
    return jnp.take(table, idx, axis=0)

if __name__ == "__main__":
    import jax
    _d = setup_inputs()
    print(jax.jit(kernel)(*tuple(_d.values())))

</pallas_src>

<mosaic_0001>
#map = affine_map<(d0, d1) -> (0, 0)>
#map1 = affine_map<(d0, d1) -> (0, 0, 0)>
module attributes {stable_mosaic.version = 14 : i64} {
  func.func @body(%arg0: i32, %arg1: i32, %arg2: memref<16384x128xi32, #tpu.memory_space<hbm>>, %arg3: memref<2600960x32xf32, #tpu.memory_space<hbm>>, %arg4: memref<16384x26x32xf32, #tpu.memory_space<hbm>>, %arg5: memref<512x128xi32, #tpu.memory_space<vmem>>, %arg6: memref<512xi32, #tpu.memory_space<vmem>>, %arg7: memref<512x1x32xf32, #tpu.memory_space<vmem>>, %arg8: memref<!tpu.dma_semaphore, #tpu.memory_space<semaphore_mem>>) attributes {dimension_semantics = [#tpu.dimension_semantics<core_parallel>, #tpu.dimension_semantics<subcore_parallel>], iteration_bounds = array<i64: 2, 16>, scalar_prefetch = 0 : i64, scratch_operands = 4 : i64, tpu.core_type = #tpu.core_type<sc_vector_subcore>, window_params = [{transform_indices = #map}, {transform_indices = #map}, {transform_indices = #map1}]} {
    %mul3A = arith.constant 2 : i32
    %mul3A_0 = arith.muli %arg1, %mul3A : i32
    %add3A = arith.addi %mul3A_0, %arg0 : i32
    %mul3A_1 = arith.constant 512 : i32
    %mul3A_2 = arith.muli %add3A, %mul3A_1 : i32
    "tpu.region"() ({
      %run_scoped3A = tpu.sem_alloc : memref<!tpu.dma_semaphore, #tpu.memory_space<semaphore_mem>>
      %dma_start3A = arith.constant 0 : i32
      %dma_start3A_8 = tpu.memref_slice %arg2[%mul3A_2, %dma_start3A] : memref<16384x128xi32, #tpu.memory_space<hbm>> -> memref<512x128xi32, #tpu.memory_space<hbm>>
      %dma_start3A_9 = arith.constant 0 : i32
      %dma_start3A_10 = tpu.memref_slice %arg2[%mul3A_2, %dma_start3A_9] : memref<16384x128xi32, #tpu.memory_space<hbm>> -> memref<512x128xi32, #tpu.memory_space<hbm>>
      tpu.enqueue_dma source(%dma_start3A_10 : memref<512x128xi32, #tpu.memory_space<hbm>>) target(%arg5 : memref<512x128xi32, #tpu.memory_space<vmem>>) target_semaphore(%run_scoped3A : memref<!tpu.dma_semaphore, #tpu.memory_space<semaphore_mem>>)
      %dma_wait3A = arith.constant 0 : i32
      %dma_wait3A_11 = tpu.memref_slice %arg2[%mul3A_2, %dma_wait3A] : memref<16384x128xi32, #tpu.memory_space<hbm>> -> memref<512x128xi32, #tpu.memory_space<hbm>>
      %dma_wait3A_12 = arith.constant 0 : i32
      %dma_wait3A_13 = tpu.memref_slice %arg2[%mul3A_2, %dma_wait3A_12] : memref<16384x128xi32, #tpu.memory_space<hbm>> -> memref<512x128xi32, #tpu.memory_space<hbm>>
      tpu.wait_dma2 semaphore(%run_scoped3A : memref<!tpu.dma_semaphore, #tpu.memory_space<semaphore_mem>>) src(%dma_wait3A_13 : memref<512x128xi32, #tpu.memory_space<hbm>>) dst(%arg5 : memref<512x128xi32, #tpu.memory_space<vmem>>)
      tpu.yield
    }) : () -> ()
    %scan3A = arith.constant 0 : i32
    %scan3A_3 = arith.constant 0 : i32
    %scan3A_4 = arith.constant 26 : i32
    %scan3A_5 = arith.addi %scan3A_3, %scan3A_4 : i32
    %scan3A_6 = arith.constant 1 : i32
    scf.for %scan3A_8 = %scan3A_3 to %scan3A_5 step %scan3A_6  : i32 {
      %broadcast_in_dim3A = arith.constant 0 : i32
      %broadcast_in_dim3A_9 = vector.broadcast %broadcast_in_dim3A : i32 to vector<16xi32>
      %add3A_10 = vector.broadcast %scan3A_8 : i32 to vector<16xi32>
      %add3A_11 = arith.addi %broadcast_in_dim3A_9, %add3A_10 : vector<16xi32>
      %mul3A_12 = arith.constant 100000 : i32
      %mul3A_13 = arith.muli %scan3A_8, %mul3A_12 : i32
      %iota3A = tpu.iota {dimensions = array<i32: 0>} : vector<16xi32>
      %add3A_14 = arith.constant 0 : i32
      %add3A_15 = vector.broadcast %add3A_14 : i32 to vector<16xi32>
      %add3A_16 = arith.addi %iota3A, %add3A_15 : vector<16xi32>
      %gather3A = tpu.vector_load_idx %arg5[%add3A_16, %add3A_11] : memref<512x128xi32, #tpu.memory_space<vmem>>[vector<16xi32>, vector<16xi32>], vector<16xi32>,
      %add3A_17 = vector.broadcast %mul3A_13 : i32 to vector<16xi32>
      %add3A_18 = arith.addi %gather3A, %add3A_17 : vector<16xi32>
      %shift_right_logical3A = arith.constant 12 : i32
      %shift_right_logical3A_19 = vector.broadcast %shift_right_logical3A : i32 to vector<16xi32>
      %shift_right_logical3A_20 = arith.shrui %add3A_18, %shift_right_logical3A_19 : vector<16xi32>
      %shift_left3A = arith.constant 12 : i32
      %shift_left3A_21 = vector.broadcast %shift_left3A : i32 to vector<16xi32>
      %shift_left3A_22 = arith.shli %shift_right_logical3A_20, %shift_left3A_21 : vector<16xi32>
      %and3A = arith.constant 1023 : i32
      %and3A_23 = vector.broadcast %and3A : i32 to vector<16xi32>
      %and3A_24 = arith.andi %add3A_18, %and3A_23 : vector<16xi32>
      %shift_left3A_25 = arith.constant 2 : i32
      %shift_left3A_26 = vector.broadcast %shift_left3A_25 : i32 to vector<16xi32>
      %shift_left3A_27 = arith.shli %and3A_24, %shift_left3A_26 : vector<16xi32>
      %add3A_28 = arith.addi %shift_left3A_22, %shift_left3A_27 : vector<16xi32>
      %shift_right_logical3A_29 = arith.constant 10 : i32
      %shift_right_logical3A_30 = vector.broadcast %shift_right_logical3A_29 : i32 to vector<16xi32>
      %shift_right_logical3A_31 = arith.shrui %add3A_18, %shift_right_logical3A_30 : vector<16xi32>
      %and3A_32 = arith.constant 3 : i32
      %and3A_33 = vector.broadcast %and3A_32 : i32 to vector<16xi32>
      %and3A_34 = arith.andi %shift_right_logical3A_31, %and3A_33 : vector<16xi32>
      %add3A_35 = arith.addi %add3A_28, %and3A_34 : vector<16xi32>
      %swap3A = arith.constant 0 : index
      %swap3A_36 = tpu.vector_load %arg6[%swap3A] {strides = array<i32>} : memref<512xi32, #tpu.memory_space<vmem>>, vector<16xi32>,
      tpu.vector_store %arg6[%swap3A], %add3A_35 {strides = array<i32>} : memref<512xi32, #tpu.memory_space<vmem>>, vector<16xi32>,
      %iota3A_37 = tpu.iota {dimensions = array<i32: 0>} : vector<16xi32>
      %add3A_38 = arith.constant 16 : i32
      %add3A_39 = vector.broadcast %add3A_38 : i32 to vector<16xi32>
      %add3A_40 = arith.addi %iota3A_37, %add3A_39 : vector<16xi32>
      %gather3A_41 = tpu.vector_load_idx %arg5[%add3A_40, %add3A_11] : memref<512x128xi32, #tpu.memory_space<vmem>>[vector<16xi32>, vector<16xi32>], vector<16xi32>,
      %add3A_42 = vector.broadcast %mul3A_13 : i32 to vector<16xi32>
      %add3A_43 = arith.addi %gather3A_41, %add3A_42 : vector<16xi32>
      %shift_right_logical3A_44 = arith.constant 12 : i32
      %shift_right_logical3A_45 = vector.broadcast %shift_right_logical3A_44 : i32 to vector<16xi32>
      %shift_right_logical3A_46 = arith.shrui %add3A_43, %shift_right_logical3A_45 : vector<16xi32>
      %shift_left3A_47 = arith.constant 12 : i32
      %shift_left3A_48 = vector.broadcast %shift_left3A_47 : i32 to vector<16xi32>
      %shift_left3A_49 = arith.shli %shift_right_logical3A_46, %shift_left3A_48 : vector<16xi32>
      %and3A_50 = arith.constant 1023 : i32
      %and3A_51 = vector.broadcast %and3A_50 : i32 to vector<16xi32>
      %and3A_52 = arith.andi %add3A_43, %and3A_51 : vector<16xi32>
      %shift_left3A_53 = arith.constant 2 : i32
      %shift_left3A_54 = vector.broadcast %shift_left3A_53 : i32 to vector<16xi32>
      %shift_left3A_55 = arith.shli %and3A_52, %shift_left3A_54 : vector<16xi32>
      %add3A_56 = arith.addi %shift_left3A_49, %shift_left3A_55 : vector<16xi32>
      %shift_right_logical3A_57 = arith.constant 10 : i32
      %shift_right_logical3A_58 = vector.broadcast %shift_right_logical3A_57 : i32 to vector<16xi32>
      %shift_right_logical3A_59 = arith.shrui %add3A_43, %shift_right_logical3A_58 : vector<16xi32>
      %and3A_60 = arith.constant 3 : i32
      %and3A_61 = vector.broadcast %and3A_60 : i32 to vector<16xi32>
      %and3A_62 = arith.andi %shift_right_logical3A_59, %and3A_61 : vector<16xi32>
      %add3A_63 = arith.addi %add3A_56, %and3A_62 : vector<16xi32>
      %swap3A_64 = arith.constant 16 : index
      %swap3A_65 = tpu.vector_load %arg6[%swap3A_64] {strides = array<i32>} : memref<512xi32, #tpu.memory_space<vmem>>, vector<16xi32>,
      tpu.vector_store %arg6[%swap3A_64], %add3A_63 {strides = array<i32>} : memref<512xi32, #tpu.memory_space<vmem>>, vector<16xi32>,
      %iota3A_66 = tpu.iota {dimensions = array<i32: 0>} : vector<16xi32>
      %add3A_67 = arith.constant 32 : i32
      %add3A_68 = vector.broadcast %add3A_67 : i32 to vector<16xi32>
      %add3A_69 = arith.addi %iota3A_66, %add3A_68 : vector<16xi32>
      %gather3A_70 = tpu.vector_load_idx %arg5[%add3A_69, %add3A_11] : memref<512x128xi32, #tpu.memory_space<vmem>>[vector<16xi32>, vector<16xi32>], vector<16xi32>,
      %add3A_71 = vector.broadcast %mul3A_13 : i32 to vector<16xi32>
      %add3A_72 = arith.addi %gather3A_70, %add3A_71 : vector<16xi32>
      %shift_right_logical3A_73 = arith.constant 12 : i32
      %shift_right_logical3A_74 = vector.broadcast %shift_right_logical3A_73 : i32 to vector<16xi32>
      %shift_right_logical3A_75 = arith.shrui %add3A_72, %shift_right_logical3A_74 : vector<16xi32>
      %shift_left3A_76 = arith.constant 12 : i32
      %shift_left3A_77 = vector.broadcast %shift_left3A_76 : i32 to vector<16xi32>
      %shift_left3A_78 = arith.shli %shift_right_logical3A_75, %shift_left3A_77 : vector<16xi32>
      %and3A_79 = arith.constant 1023 : i32
      %and3A_80 = vector.broadcast %and3A_79 : i32 to vector<16xi32>
      %and3A_81 = arith.andi %add3A_72, %and3A_80 : vector<16xi32>
      %shift_left3A_82 = arith.constant 2 : i32
      %shift_left3A_83 = vector.broadcast %shift_left3A_82 : i32 to vector<16xi32>
      %shift_left3A_84 = arith.shli %and3A_81, %shift_left3A_83 : vector<16xi32>
      %add3A_85 = arith.addi %shift_left3A_78, %shift_left3A_84 : vector<16xi32>
      %shift_right_logical3A_86 = arith.constant 10 : i32
      %shift_right_logical3A_87 = vector.broadcast %shift_right_logical3A_86 : i32 to vector<16xi32>
      %shift_right_logical3A_88 = arith.shrui %add3A_72, %shift_right_logical3A_87 : vector<16xi32>
      %and3A_89 = arith.constant 3 : i32
      %and3A_90 = vector.broadcast %and3A_89 : i32 to vector<16xi32>
      %and3A_91 = arith.andi %shift_right_logical3A_88, %and3A_90 : vector<16xi32>
      %add3A_92 = arith.addi %add3A_85, %and3A_91 : vector<16xi32>
      %swap3A_93 = arith.constant 32 : index
      %swap3A_94 = tpu.vector_load %arg6[%swap3A_93] {strides = array<i32>} : memref<512xi32, #tpu.memory_space<vmem>>, vector<16xi32>,
      tpu.vector_store %arg6[%swap3A_93], %add3A_92 {strides = array<i32>} : memref<512xi32, #tpu.memory_space<vmem>>, vector<16xi32>,
      %iota3A_95 = tpu.iota {dimensions = array<i32: 0>} : vector<16xi32>
      %add3A_96 = arith.constant 48 : i32
      %add3A_97 = vector.broadcast %add3A_96 : i32 to vector<16xi32>
      %add3A_98 = arith.addi %iota3A_95, %add3A_97 : vector<16xi32>
      %gather3A_99 = tpu.vector_load_idx %arg5[%add3A_98, %add3A_11] : memref<512x128xi32, #tpu.memory_space<vmem>>[vector<16xi32>, vector<16xi32>], vector<16xi32>,
      %add3A_100 = vector.broadcast %mul3A_13 : i32 to vector<16xi32>
      %add3A_101 = arith.addi %gather3A_99, %add3A_100 : vector<16xi32>
      %shift_right_logical3A_102 = arith.constant 12 : i32
      %shift_right_logical3A_103 = vector.broadcast %shift_right_logical3A_102 : i32 to vector<16xi32>
      %shift_right_logical3A_104 = arith.shrui %add3A_101, %shift_right_logical3A_103 : vector<16xi32>
      %shift_left3A_105 = arith.constant 12 : i32
      %shift_left3A_106 = vector.broadcast %shift_left3A_105 : i32 to vector<16xi32>
      %shift_left3A_107 = arith.shli %shift_right_logical3A_104, %shift_left3A_106 : vector<16xi32>
      %and3A_108 = arith.constant 1023 : i32
      %and3A_109 = vector.broadcast %and3A_108 : i32 to vector<16xi32>
      %and3A_110 = arith.andi %add3A_101, %and3A_109 : vector<16xi32>
      %shift_left3A_111 = arith.constant 2 : i32
      %shift_left3A_112 = vector.broadcast %shift_left3A_111 : i32 to vector<16xi32>
      %shift_left3A_113 = arith.shli %and3A_110, %shift_left3A_112 : vector<16xi32>
      %add3A_114 = arith.addi %shift_left3A_107, %shift_left3A_113 : vector<16xi32>
      %shift_right_logical3A_115 = arith.constant 10 : i32
      %shift_right_logical3A_116 = vector.broadcast %shift_right_logical3A_115 : i32 to vector<16xi32>
      %shift_right_logical3A_117 = arith.shrui %add3A_101, %shift_right_logical3A_116 : vector<16xi32>
      %and3A_118 = arith.constant 3 : i32
      %and3A_119 = vector.broadcast %and3A_118 : i32 to vector<16xi32>
      %and3A_120 = arith.andi %shift_right_logical3A_117, %and3A_119 : vector<16xi32>
      %add3A_121 = arith.addi %add3A_114, %and3A_120 : vector<16xi32>
      %swap3A_122 = arith.constant 48 : index
      %swap3A_123 = tpu.vector_load %arg6[%swap3A_122] {strides = array<i32>} : memref<512xi32, #tpu.memory_space<vmem>>, vector<16xi32>,
      tpu.vector_store %arg6[%swap3A_122], %add3A_121 {strides = array<i32>} : memref<512xi32, #tpu.memory_space<vmem>>, vector<16xi32>,
      %iota3A_124 = tpu.iota {dimensions = array<i32: 0>} : vector<16xi32>
      %add3A_125 = arith.constant 64 : i32
      %add3A_126 = vector.broadcast %add3A_125 : i32 to vector<16xi32>
      %add3A_127 = arith.addi %iota3A_124, %add3A_126 : vector<16xi32>
      %gather3A_128 = tpu.vector_load_idx %arg5[%add3A_127, %add3A_11] : memref<512x128xi32, #tpu.memory_space<vmem>>[vector<16xi32>, vector<16xi32>], vector<16xi32>,
      %add3A_129 = vector.broadcast %mul3A_13 : i32 to vector<16xi32>
      %add3A_130 = arith.addi %gather3A_128, %add3A_129 : vector<16xi32>
      %shift_right_logical3A_131 = arith.constant 12 : i32
      %shift_right_logical3A_132 = vector.broadcast %shift_right_logical3A_131 : i32 to vector<16xi32>
      %shift_right_logical3A_133 = arith.shrui %add3A_130, %shift_right_logical3A_132 : vector<16xi32>
      %shift_left3A_134 = arith.constant 12 : i32
      %shift_left3A_135 = vector.broadcast %shift_left3A_134 : i32 to vector<16xi32>
      %shift_left3A_136 = arith.shli %shift_right_logical3A_133, %shift_left3A_135 : vector<16xi32>
      %and3A_137 = arith.constant 1023 : i32
      %and3A_138 = vector.broadcast %and3A_137 : i32 to vector<16xi32>
      %and3A_139 = arith.andi %add3A_130, %and3A_138 : vector<16xi32>
      %shift_left3A_140 = arith.constant 2 : i32
      %shift_left3A_141 = vector.broadcast %shift_left3A_140 : i32 to vector<16xi32>
      %shift_left3A_142 = arith.shli %and3A_139, %shift_left3A_141 : vector<16xi32>
      %add3A_143 = arith.addi %shift_left3A_136, %shift_left3A_142 : vector<16xi32>
      %shift_right_logical3A_144 = arith.constant 10 : i32
      %shift_right_logical3A_145 = vector.broadcast %shift_right_logical3A_144 : i32 to vector<16xi32>
      %shift_right_logical3A_146 = arith.shrui %add3A_130, %shift_right_logical3A_145 : vector<16xi32>
      %and3A_147 = arith.constant 3 : i32
      %and3A_148 = vector.broadcast %and3A_147 : i32 to vector<16xi32>
      %and3A_149 = arith.andi %shift_right_logical3A_146, %and3A_148 : vector<16xi32>
      %add3A_150 = arith.addi %add3A_143, %and3A_149 : vector<16xi32>
      %swap3A_151 = arith.constant 64 : index
      %swap3A_152 = tpu.vector_load %arg6[%swap3A_151] {strides = array<i32>} : memref<512xi32, #tpu.memory_space<vmem>>, vector<16xi32>,
      tpu.vector_store %arg6[%swap3A_151], %add3A_150 {strides = array<i32>} : memref<512xi32, #tpu.memory_space<vmem>>, vector<16xi32>,
      %iota3A_153 = tpu.iota {dimensions = array<i32: 0>} : vector<16xi32>
      %add3A_154 = arith.constant 80 : i32
      %add3A_155 = vector.broadcast %add3A_154 : i32 to vector<16xi32>
      %add3A_156 = arith.addi %iota3A_153, %add3A_155 : vector<16xi32>
      %gather3A_157 = tpu.vector_load_idx %arg5[%add3A_156, %add3A_11] : memref<512x128xi32, #tpu.memory_space<vmem>>[vector<16xi32>, vector<16xi32>], vector<16xi32>,
      %add3A_158 = vector.broadcast %mul3A_13 : i32 to vector<16xi32>
      %add3A_159 = arith.addi %gather3A_157, %add3A_158 : vector<16xi32>
      %shift_right_logical3A_160 = arith.constant 12 : i32
      %shift_right_logical3A_161 = vector.broadcast %shift_right_logical3A_160 : i32 to vector<16xi32>
      %shift_right_logical3A_162 = arith.shrui %add3A_159, %shift_right_logical3A_161 : vector<16xi32>
      %shift_left3A_163 = arith.constant 12 : i32
      %shift_left3A_164 = vector.broadcast %shift_left3A_163 : i32 to vector<16xi32>
      %shift_left3A_165 = arith.shli %shift_right_logical3A_162, %shift_left3A_164 : vector<16xi32>
      %and3A_166 = arith.constant 1023 : i32
      %and3A_167 = vector.broadcast %and3A_166 : i32 to vector<16xi32>
      %and3A_168 = arith.andi %add3A_159, %and3A_167 : vector<16xi32>
      %shift_left3A_169 = arith.constant 2 : i32
      %shift_left3A_170 = vector.broadcast %shift_left3A_169 : i32 to vector<16xi32>
      %shift_left3A_171 = arith.shli %and3A_168, %shift_left3A_170 : vector<16xi32>
      %add3A_172 = arith.addi %shift_left3A_165, %shift_left3A_171 : vector<16xi32>
      %shift_right_logical3A_173 = arith.constant 10 : i32
      %shift_right_logical3A_174 = vector.broadcast %shift_right_logical3A_173 : i32 to vector<16xi32>
      %shift_right_logical3A_175 = arith.shrui %add3A_159, %shift_right_logical3A_174 : vector<16xi32>
      %and3A_176 = arith.constant 3 : i32
      %and3A_177 = vector.broadcast %and3A_176 : i32 to vector<16xi32>
      %and3A_178 = arith.andi %shift_right_logical3A_175, %and3A_177 : vector<16xi32>
      %add3A_179 = arith.addi %add3A_172, %and3A_178 : vector<16xi32>
      %swap3A_180 = arith.constant 80 : index
      %swap3A_181 = tpu.vector_load %arg6[%swap3A_180] {strides = array<i32>} : memref<512xi32, #tpu.memory_space<vmem>>, vector<16xi32>,
      tpu.vector_store %arg6[%swap3A_180], %add3A_179 {strides = array<i32>} : memref<512xi32, #tpu.memory_space<vmem>>, vector<16xi32>,
      %iota3A_182 = tpu.iota {dimensions = array<i32: 0>} : vector<16xi32>
      %add3A_183 = arith.constant 96 : i32
      %add3A_184 = vector.broadcast %add3A_183 : i32 to vector<16xi32>
      %add3A_185 = arith.addi %iota3A_182, %add3A_184 : vector<16xi32>
      %gather3A_186 = tpu.vector_load_idx %arg5[%add3A_185, %add3A_11] : memref<512x128xi32, #tpu.memory_space<vmem>>[vector<16xi32>, vector<16xi32>], vector<16xi32>,
      %add3A_187 = vector.broadcast %mul3A_13 : i32 to vector<16xi32>
      %add3A_188 = arith.addi %gather3A_186, %add3A_187 : vector<16xi32>
      %shift_right_logical3A_189 = arith.constant 12 : i32
      %shift_right_logical3A_190 = vector.broadcast %shift_right_logical3A_189 : i32 to vector<16xi32>
      %shift_right_logical3A_191 = arith.shrui %add3A_188, %shift_right_logical3A_190 : vector<16xi32>
      %shift_left3A_192 = arith.constant 12 : i32
      %shift_left3A_193 = vector.broadcast %shift_left3A_192 : i32 to vector<16xi32>
      %shift_left3A_194 = arith.shli %shift_right_logical3A_191, %shift_left3A_193 : vector<16xi32>
      %and3A_195 = arith.constant 1023 : i32
      %and3A_196 = vector.broadcast %and3A_195 : i32 to vector<16xi32>
      %and3A_197 = arith.andi %add3A_188, %and3A_196 : vector<16xi32>
      %shift_left3A_198 = arith.constant 2 : i32
      %shift_left3A_199 = vector.broadcast %shift_left3A_198 : i32 to vector<16xi32>
      %shift_left3A_200 = arith.shli %and3A_197, %shift_left3A_199 : vector<16xi32>
      %add3A_201 = arith.addi %shift_left3A_194, %shift_left3A_200 : vector<16xi32>
      %shift_right_logical3A_202 = arith.constant 10 : i32
      %shift_right_logical3A_203 = vector.broadcast %shift_right_logical3A_202 : i32 to vector<16xi32>
      %shift_right_logical3A_204 = arith.shrui %add3A_188, %shift_right_logical3A_203 : vector<16xi32>
      %and3A_205 = arith.constant 3 : i32
      %and3A_206 = vector.broadcast %and3A_205 : i32 to vector<16xi32>
      %and3A_207 = arith.andi %shift_right_logical3A_204, %and3A_206 : vector<16xi32>
      %add3A_208 = arith.addi %add3A_201, %and3A_207 : vector<16xi32>
      %swap3A_209 = arith.constant 96 : index
      %swap3A_210 = tpu.vector_load %arg6[%swap3A_209] {strides = array<i32>} : memref<512xi32, #tpu.memory_space<vmem>>, vector<16xi32>,
      tpu.vector_store %arg6[%swap3A_209], %add3A_208 {strides = array<i32>} : memref<512xi32, #tpu.memory_space<vmem>>, vector<16xi32>,
      %iota3A_211 = tpu.iota {dimensions = array<i32: 0>} : vector<16xi32>
      %add3A_212 = arith.constant 112 : i32
      %add3A_213 = vector.broadcast %add3A_212 : i32 to vector<16xi32>
      %add3A_214 = arith.addi %iota3A_211, %add3A_213 : vector<16xi32>
      %gather3A_215 = tpu.vector_load_idx %arg5[%add3A_214, %add3A_11] : memref<512x128xi32, #tpu.memory_space<vmem>>[vector<16xi32>, vector<16xi32>], vector<16xi32>,
      %add3A_216 = vector.broadcast %mul3A_13 : i32 to vector<16xi32>
      %add3A_217 = arith.addi %gather3A_215, %add3A_216 : vector<16xi32>
      %shift_right_logical3A_218 = arith.constant 12 : i32
      %shift_right_logical3A_219 = vector.broadcast %shift_right_logical3A_218 : i32 to vector<16xi32>
      %shift_right_logical3A_220 = arith.shrui %add3A_217, %shift_right_logical3A_219 : vector<16xi32>
      %shift_left3A_221 = arith.constant 12 : i32
      %shift_left3A_222 = vector.broadcast %shift_left3A_221 : i32 to vector<16xi32>
      %shift_left3A_223 = arith.shli %shift_right_logical3A_220, %shift_left3A_222 : vector<16xi32>
      %and3A_224 = arith.constant 1023 : i32
      %and3A_225 = vector.broadcast %and3A_224 : i32 to vector<16xi32>
      %and3A_226 = arith.andi %add3A_217, %and3A_225 : vector<16xi32>
      %shift_left3A_227 = arith.constant 2 : i32
      %shift_left3A_228 = vector.broadcast %shift_left3A_227 : i32 to vector<16xi32>
      %shift_left3A_229 = arith.shli %and3A_226, %shift_left3A_228 : vector<16xi32>
      %add3A_230 = arith.addi %shift_left3A_223, %shift_left3A_229 : vector<16xi32>
      %shift_right_logical3A_231 = arith.constant 10 : i32
      %shift_right_logical3A_232 = vector.broadcast %shift_right_logical3A_231 : i32 to vector<16xi32>
      %shift_right_logical3A_233 = arith.shrui %add3A_217, %shift_right_logical3A_232 : vector<16xi32>
      %and3A_234 = arith.constant 3 : i32
      %and3A_235 = vector.broadcast %and3A_234 : i32 to vector<16xi32>
      %and3A_236 = arith.andi %shift_right_logical3A_233, %and3A_235 : vector<16xi32>
      %add3A_237 = arith.addi %add3A_230, %and3A_236 : vector<16xi32>
      %swap3A_238 = arith.constant 112 : index
      %swap3A_239 = tpu.vector_load %arg6[%swap3A_238] {strides = array<i32>} : memref<512xi32, #tpu.memory_space<vmem>>, vector<16xi32>,
      tpu.vector_store %arg6[%swap3A_238], %add3A_237 {strides = array<i32>} : memref<512xi32, #tpu.memory_space<vmem>>, vector<16xi32>,
      %iota3A_240 = tpu.iota {dimensions = array<i32: 0>} : vector<16xi32>
      %add3A_241 = arith.constant 128 : i32
      %add3A_242 = vector.broadcast %add3A_241 : i32 to vector<16xi32>
      %add3A_243 = arith.addi %iota3A_240, %add3A_242 : vector<16xi32>
      %gather3A_244 = tpu.vector_load_idx %arg5[%add3A_243, %add3A_11] : memref<512x128xi32, #tpu.memory_space<vmem>>[vector<16xi32>, vector<16xi32>], vector<16xi32>,
      %add3A_245 = vector.broadcast %mul3A_13 : i32 to vector<16xi32>
      %add3A_246 = arith.addi %gather3A_244, %add3A_245 : vector<16xi32>
      %shift_right_logical3A_247 = arith.constant 12 : i32
      %shift_right_logical3A_248 = vector.broadcast %shift_right_logical3A_247 : i32 to vector<16xi32>
      %shift_right_logical3A_249 = arith.shrui %add3A_246, %shift_right_logical3A_248 : vector<16xi32>
      %shift_left3A_250 = arith.constant 12 : i32
      %shift_left3A_251 = vector.broadcast %shift_left3A_250 : i32 to vector<16xi32>
      %shift_left3A_252 = arith.shli %shift_right_logical3A_249, %shift_left3A_251 : vector<16xi32>
      %and3A_253 = arith.constant 1023 : i32
      %and3A_254 = vector.broadcast %and3A_253 : i32 to vector<16xi32>
      %and3A_255 = arith.andi %add3A_246, %and3A_254 : vector<16xi32>
      %shift_left3A_256 = arith.constant 2 : i32
      %shift_left3A_257 = vector.broadcast %shift_left3A_256 : i32 to vector<16xi32>
      %shift_left3A_258 = arith.shli %and3A_255, %shift_left3A_257 : vector<16xi32>
      %add3A_259 = arith.addi %shift_left3A_252, %shift_left3A_258 : vector<16xi32>
      %shift_right_logical3A_260 = arith.constant 10 : i32
      %shift_right_logical3A_261 = vector.broadcast %shift_right_logical3A_260 : i32 to vector<16xi32>
      %shift_right_logical3A_262 = arith.shrui %add3A_246, %shift_right_logical3A_261 : vector<16xi32>
      %and3A_263 = arith.constant 3 : i32
      %and3A_264 = vector.broadcast %and3A_263 : i32 to vector<16xi32>
      %and3A_265 = arith.andi %shift_right_logical3A_262, %and3A_264 : vector<16xi32>
      %add3A_266 = arith.addi %add3A_259, %and3A_265 : vector<16xi32>
      %swap3A_267 = arith.constant 128 : index
      %swap3A_268 = tpu.vector_load %arg6[%swap3A_267] {strides = array<i32>} : memref<512xi32, #tpu.memory_space<vmem>>, vector<16xi32>,
      tpu.vector_store %arg6[%swap3A_267], %add3A_266 {strides = array<i32>} : memref<512xi32, #tpu.memory_space<vmem>>, vector<16xi32>,
      %iota3A_269 = tpu.iota {dimensions = array<i32: 0>} : vector<16xi32>
      %add3A_270 = arith.constant 144 : i32
      %add3A_271 = vector.broadcast %add3A_270 : i32 to vector<16xi32>
      %add3A_272 = arith.addi %iota3A_269, %add3A_271 : vector<16xi32>
      %gather3A_273 = tpu.vector_load_idx %arg5[%add3A_272, %add3A_11] : memref<512x128xi32, #tpu.memory_space<vmem>>[vector<16xi32>, vector<16xi32>], vector<16xi32>,
      %add3A_274 = vector.broadcast %mul3A_13 : i32 to vector<16xi32>
      %add3A_275 = arith.addi %gather3A_273, %add3A_274 : vector<16xi32>
      %shift_right_logical3A_276 = arith.constant 12 : i32
      %shift_right_logical3A_277 = vector.broadcast %shift_right_logical3A_276 : i32 to vector<16xi32>
      %shift_right_logical3A_278 = arith.shrui %add3A_275, %shift_right_logical3A_277 : vector<16xi32>
      %shift_left3A_279 = arith.constant 12 : i32
      %shift_left3A_280 = vector.broadcast %shift_left3A_279 : i32 to vector<16xi32>
      %shift_left3A_281 = arith.shli %shift_right_logical3A_278, %shift_left3A_280 : vector<16xi32>
      %and3A_282 = arith.constant 1023 : i32
      %and3A_283 = vector.broadcast %and3A_282 : i32 to vector<16xi32>
      %and3A_284 = arith.andi %add3A_275, %and3A_283 : vector<16xi32>
      %shift_left3A_285 = arith.constant 2 : i32
      %shift_left3A_286 = vector.broadcast %shift_left3A_285 : i32 to vector<16xi32>
      %shift_left3A_287 = arith.shli %and3A_284, %shift_left3A_286 : vector<16xi32>
      %add3A_288 = arith.addi %shift_left3A_281, %shift_left3A_287 : vector<16xi32>
      %shift_right_logical3A_289 = arith.constant 10 : i32
      %shift_right_logical3A_290 = vector.broadcast %shift_right_logical3A_289 : i32 to vector<16xi32>
      %shift_right_logical3A_291 = arith.shrui %add3A_275, %shift_right_logical3A_290 : vector<16xi32>
      %and3A_292 = arith.constant 3 : i32
      %and3A_293 = vector.broadcast %and3A_292 : i32 to vector<16xi32>
      %and3A_294 = arith.andi %shift_right_logical3A_291, %and3A_293 : vector<16xi32>
      %add3A_295 = arith.addi %add3A_288, %and3A_294 : vector<16xi32>
      %swap3A_296 = arith.constant 144 : index
      %swap3A_297 = tpu.vector_load %arg6[%swap3A_296] {strides = array<i32>} : memref<512xi32, #tpu.memory_space<vmem>>, vector<16xi32>,
      tpu.vector_store %arg6[%swap3A_296], %add3A_295 {strides = array<i32>} : memref<512xi32, #tpu.memory_space<vmem>>, vector<16xi32>,
      %iota3A_298 = tpu.iota {dimensions = array<i32: 0>} : vector<16xi32>
      %add3A_299 = arith.constant 160 : i32
      %add3A_300 = vector.broadcast %add3A_299 : i32 to vector<16xi32>
      %add3A_301 = arith.addi %iota3A_298, %add3A_300 : vector<16xi32>
      %gather3A_302 = tpu.vector_load_idx %arg5[%add3A_301, %add3A_11] : memref<512x128xi32, #tpu.memory_space<vmem>>[vector<16xi32>, vector<16xi32>], vector<16xi32>,
      %add3A_303 = vector.broadcast %mul3A_13 : i32 to vector<16xi32>
      %add3A_304 = arith.addi %gather3A_302, %add3A_303 : vector<16xi32>
      %shift_right_logical3A_305 = arith.constant 12 : i32
      %shift_right_logical3A_306 = vector.broadcast %shift_right_logical3A_305 : i32 to vector<16xi32>
      %shift_right_logical3A_307 = arith.shrui %add3A_304, %shift_right_logical3A_306 : vector<16xi32>
      %shift_left3A_308 = arith.constant 12 : i32
      %shift_left3A_309 = vector.broadcast %shift_left3A_308 : i32 to vector<16xi32>
      %shift_left3A_310 = arith.shli %shift_right_logical3A_307, %shift_left3A_309 : vector<16xi32>
      %and3A_311 = arith.constant 1023 : i32
      %and3A_312 = vector.broadcast %and3A_311 : i32 to vector<16xi32>
      %and3A_313 = arith.andi %add3A_304, %and3A_312 : vector<16xi32>
      %shift_left3A_314 = arith.constant 2 : i32
      %shift_left3A_315 = vector.broadcast %shift_left3A_314 : i32 to vector<16xi32>
      %shift_left3A_316 = arith.shli %and3A_313, %shift_left3A_315 : vector<16xi32>
      %add3A_317 = arith.addi %shift_left3A_310, %shift_left3A_316 : vector<16xi32>
      %shift_right_logical3A_318 = arith.constant 10 : i32
      %shift_right_logical3A_319 = vector.broadcast %shift_right_logical3A_318 : i32 to vector<16xi32>
      %shift_right_logical3A_320 = arith.shrui %add3A_304, %shift_right_logical3A_319 : vector<16xi32>
      %and3A_321 = arith.constant 3 : i32
      %and3A_322 = vector.broadcast %and3A_321 : i32 to vector<16xi32>
      %and3A_323 = arith.andi %shift_right_logical3A_320, %and3A_322 : vector<16xi32>
      %add3A_324 = arith.addi %add3A_317, %and3A_323 : vector<16xi32>
      %swap3A_325 = arith.constant 160 : index
      %swap3A_326 = tpu.vector_load %arg6[%swap3A_325] {strides = array<i32>} : memref<512xi32, #tpu.memory_space<vmem>>, vector<16xi32>,
      tpu.vector_store %arg6[%swap3A_325], %add3A_324 {strides = array<i32>} : memref<512xi32, #tpu.memory_space<vmem>>, vector<16xi32>,
      %iota3A_327 = tpu.iota {dimensions = array<i32: 0>} : vector<16xi32>
      %add3A_328 = arith.constant 176 : i32
      %add3A_329 = vector.broadcast %add3A_328 : i32 to vector<16xi32>
      %add3A_330 = arith.addi %iota3A_327, %add3A_329 : vector<16xi32>
      %gather3A_331 = tpu.vector_load_idx %arg5[%add3A_330, %add3A_11] : memref<512x128xi32, #tpu.memory_space<vmem>>[vector<16xi32>, vector<16xi32>], vector<16xi32>,
      %add3A_332 = vector.broadcast %mul3A_13 : i32 to vector<16xi32>
      %add3A_333 = arith.addi %gather3A_331, %add3A_332 : vector<16xi32>
      %shift_right_logical3A_334 = arith.constant 12 : i32
      %shift_right_logical3A_335 = vector.broadcast %shift_right_logical3A_334 : i32 to vector<16xi32>
      %shift_right_logical3A_336 = arith.shrui %add3A_333, %shift_right_logical3A_335 : vector<16xi32>
      %shift_left3A_337 = arith.constant 12 : i32
      %shift_left3A_338 = vector.broadcast %shift_left3A_337 : i32 to vector<16xi32>
      %shift_left3A_339 = arith.shli %shift_right_logical3A_336, %shift_left3A_338 : vector<16xi32>
      %and3A_340 = arith.constant 1023 : i32
      %and3A_341 = vector.broadcast %and3A_340 : i32 to vector<16xi32>
      %and3A_342 = arith.andi %add3A_333, %and3A_341 : vector<16xi32>
      %shift_left3A_343 = arith.constant 2 : i32
      %shift_left3A_344 = vector.broadcast %shift_left3A_343 : i32 to vector<16xi32>
      %shift_left3A_345 = arith.shli %and3A_342, %shift_left3A_344 : vector<16xi32>
      %add3A_346 = arith.addi %shift_left3A_339, %shift_left3A_345 : vector<16xi32>
      %shift_right_logical3A_347 = arith.constant 10 : i32
      %shift_right_logical3A_348 = vector.broadcast %shift_right_logical3A_347 : i32 to vector<16xi32>
      %shift_right_logical3A_349 = arith.shrui %add3A_333, %shift_right_logical3A_348 : vector<16xi32>
      %and3A_350 = arith.constant 3 : i32
      %and3A_351 = vector.broadcast %and3A_350 : i32 to vector<16xi32>
      %and3A_352 = arith.andi %shift_right_logical3A_349, %and3A_351 : vector<16xi32>
      %add3A_353 = arith.addi %add3A_346, %and3A_352 : vector<16xi32>
      %swap3A_354 = arith.constant 176 : index
      %swap3A_355 = tpu.vector_load %arg6[%swap3A_354] {strides = array<i32>} : memref<512xi32, #tpu.memory_space<vmem>>, vector<16xi32>,
      tpu.vector_store %arg6[%swap3A_354], %add3A_353 {strides = array<i32>} : memref<512xi32, #tpu.memory_space<vmem>>, vector<16xi32>,
      %iota3A_356 = tpu.iota {dimensions = array<i32: 0>} : vector<16xi32>
      %add3A_357 = arith.constant 192 : i32
      %add3A_358 = vector.broadcast %add3A_357 : i32 to vector<16xi32>
      %add3A_359 = arith.addi %iota3A_356, %add3A_358 : vector<16xi32>
      %gather3A_360 = tpu.vector_load_idx %arg5[%add3A_359, %add3A_11] : memref<512x128xi32, #tpu.memory_space<vmem>>[vector<16xi32>, vector<16xi32>], vector<16xi32>,
      %add3A_361 = vector.broadcast %mul3A_13 : i32 to vector<16xi32>
      %add3A_362 = arith.addi %gather3A_360, %add3A_361 : vector<16xi32>
      %shift_right_logical3A_363 = arith.constant 12 : i32
      %shift_right_logical3A_364 = vector.broadcast %shift_right_logical3A_363 : i32 to vector<16xi32>
      %shift_right_logical3A_365 = arith.shrui %add3A_362, %shift_right_logical3A_364 : vector<16xi32>
      %shift_left3A_366 = arith.constant 12 : i32
      %shift_left3A_367 = vector.broadcast %shift_left3A_366 : i32 to vector<16xi32>
      %shift_left3A_368 = arith.shli %shift_right_logical3A_365, %shift_left3A_367 : vector<16xi32>
      %and3A_369 = arith.constant 1023 : i32
      %and3A_370 = vector.broadcast %and3A_369 : i32 to vector<16xi32>
      %and3A_371 = arith.andi %add3A_362, %and3A_370 : vector<16xi32>
      %shift_left3A_372 = arith.constant 2 : i32
      %shift_left3A_373 = vector.broadcast %shift_left3A_372 : i32 to vector<16xi32>
      %shift_left3A_374 = arith.shli %and3A_371, %shift_left3A_373 : vector<16xi32>
      %add3A_375 = arith.addi %shift_left3A_368, %shift_left3A_374 : vector<16xi32>
      %shift_right_logical3A_376 = arith.constant 10 : i32
      %shift_right_logical3A_377 = vector.broadcast %shift_right_logical3A_376 : i32 to vector<16xi32>
      %shift_right_logical3A_378 = arith.shrui %add3A_362, %shift_right_logical3A_377 : vector<16xi32>
      %and3A_379 = arith.constant 3 : i32
      %and3A_380 = vector.broadcast %and3A_379 : i32 to vector<16xi32>
      %and3A_381 = arith.andi %shift_right_logical3A_378, %and3A_380 : vector<16xi32>
      %add3A_382 = arith.addi %add3A_375, %and3A_381 : vector<16xi32>
      %swap3A_383 = arith.constant 192 : index
      %swap3A_384 = tpu.vector_load %arg6[%swap3A_383] {strides = array<i32>} : memref<512xi32, #tpu.memory_space<vmem>>, vector<16xi32>,
      tpu.vector_store %arg6[%swap3A_383], %add3A_382 {strides = array<i32>} : memref<512xi32, #tpu.memory_space<vmem>>, vector<16xi32>,
      %iota3A_385 = tpu.iota {dimensions = array<i32: 0>} : vector<16xi32>
      %add3A_386 = arith.constant 208 : i32
      %add3A_387 = vector.broadcast %add3A_386 : i32 to vector<16xi32>
      %add3A_388 = arith.addi %iota3A_385, %add3A_387 : vector<16xi32>
      %gather3A_389 = tpu.vector_load_idx %arg5[%add3A_388, %add3A_11] : memref<512x128xi32, #tpu.memory_space<vmem>>[vector<16xi32>, vector<16xi32>], vector<16xi32>,
      %add3A_390 = vector.broadcast %mul3A_13 : i32 to vector<16xi32>
      %add3A_391 = arith.addi %gather3A_389, %add3A_390 : vector<16xi32>
      %shift_right_logical3A_392 = arith.constant 12 : i32
      %shift_right_logical3A_393 = vector.broadcast %shift_right_logical3A_392 : i32 to vector<16xi32>
      %shift_right_logical3A_394 = arith.shrui %add3A_391, %shift_right_logical3A_393 : vector<16xi32>
      %shift_left3A_395 = arith.constant 12 : i32
      %shift_left3A_396 = vector.broadcast %shift_left3A_395 : i32 to vector<16xi32>
      %shift_left3A_397 = arith.shli %shift_right_logical3A_394, %shift_left3A_396 : vector<16xi32>
      %and3A_398 = arith.constant 1023 : i32
      %and3A_399 = vector.broadcast %and3A_398 : i32 to vector<16xi32>
      %and3A_400 = arith.andi %add3A_391, %and3A_399 : vector<16xi32>
      %shift_left3A_401 = arith.constant 2 : i32
      %shift_left3A_402 = vector.broadcast %shift_left3A_401 : i32 to vector<16xi32>
      %shift_left3A_403 = arith.shli %and3A_400, %shift_left3A_402 : vector<16xi32>
      %add3A_404 = arith.addi %shift_left3A_397, %shift_left3A_403 : vector<16xi32>
      %shift_right_logical3A_405 = arith.constant 10 : i32
      %shift_right_logical3A_406 = vector.broadcast %shift_right_logical3A_405 : i32 to vector<16xi32>
      %shift_right_logical3A_407 = arith.shrui %add3A_391, %shift_right_logical3A_406 : vector<16xi32>
      %and3A_408 = arith.constant 3 : i32
      %and3A_409 = vector.broadcast %and3A_408 : i32 to vector<16xi32>
      %and3A_410 = arith.andi %shift_right_logical3A_407, %and3A_409 : vector<16xi32>
      %add3A_411 = arith.addi %add3A_404, %and3A_410 : vector<16xi32>
      %swap3A_412 = arith.constant 208 : index
      %swap3A_413 = tpu.vector_load %arg6[%swap3A_412] {strides = array<i32>} : memref<512xi32, #tpu.memory_space<vmem>>, vector<16xi32>,
      tpu.vector_store %arg6[%swap3A_412], %add3A_411 {strides = array<i32>} : memref<512xi32, #tpu.memory_space<vmem>>, vector<16xi32>,
      %iota3A_414 = tpu.iota {dimensions = array<i32: 0>} : vector<16xi32>
      %add3A_415 = arith.constant 224 : i32
      %add3A_416 = vector.broadcast %add3A_415 : i32 to vector<16xi32>
      %add3A_417 = arith.addi %iota3A_414, %add3A_416 : vector<16xi32>
      %gather3A_418 = tpu.vector_load_idx %arg5[%add3A_417, %add3A_11] : memref<512x128xi32, #tpu.memory_space<vmem>>[vector<16xi32>, vector<16xi32>], vector<16xi32>,
      %add3A_419 = vector.broadcast %mul3A_13 : i32 to vector<16xi32>
      %add3A_420 = arith.addi %gather3A_418, %add3A_419 : vector<16xi32>
      %shift_right_logical3A_421 = arith.constant 12 : i32
      %shift_right_logical3A_422 = vector.broadcast %shift_right_logical3A_421 : i32 to vector<16xi32>
      %shift_right_logical3A_423 = arith.shrui %add3A_420, %shift_right_logical3A_422 : vector<16xi32>
      %shift_left3A_424 = arith.constant 12 : i32
      %shift_left3A_425 = vector.broadcast %shift_left3A_424 : i32 to vector<16xi32>
      %shift_left3A_426 = arith.shli %shift_right_logical3A_423, %shift_left3A_425 : vector<16xi32>
      %and3A_427 = arith.constant 1023 : i32
      %and3A_428 = vector.broadcast %and3A_427 : i32 to vector<16xi32>
      %and3A_429 = arith.andi %add3A_420, %and3A_428 : vector<16xi32>
      %shift_left3A_430 = arith.constant 2 : i32
      %shift_left3A_431 = vector.broadcast %shift_left3A_430 : i32 to vector<16xi32>
      %shift_left3A_432 = arith.shli %and3A_429, %shift_left3A_431 : vector<16xi32>
      %add3A_433 = arith.addi %shift_left3A_426, %shift_left3A_432 : vector<16xi32>
      %shift_right_logical3A_434 = arith.constant 10 : i32
      %shift_right_logical3A_435 = vector.broadcast %shift_right_logical3A_434 : i32 to vector<16xi32>
      %shift_right_logical3A_436 = arith.shrui %add3A_420, %shift_right_logical3A_435 : vector<16xi32>
      %and3A_437 = arith.constant 3 : i32
      %and3A_438 = vector.broadcast %and3A_437 : i32 to vector<16xi32>
      %and3A_439 = arith.andi %shift_right_logical3A_436, %and3A_438 : vector<16xi32>
      %add3A_440 = arith.addi %add3A_433, %and3A_439 : vector<16xi32>
      %swap3A_441 = arith.constant 224 : index
      %swap3A_442 = tpu.vector_load %arg6[%swap3A_441] {strides = array<i32>} : memref<512xi32, #tpu.memory_space<vmem>>, vector<16xi32>,
      tpu.vector_store %arg6[%swap3A_441], %add3A_440 {strides = array<i32>} : memref<512xi32, #tpu.memory_space<vmem>>, vector<16xi32>,
      %iota3A_443 = tpu.iota {dimensions = array<i32: 0>} : vector<16xi32>
      %add3A_444 = arith.constant 240 : i32
      %add3A_445 = vector.broadcast %add3A_444 : i32 to vector<16xi32>
      %add3A_446 = arith.addi %iota3A_443, %add3A_445 : vector<16xi32>
      %gather3A_447 = tpu.vector_load_idx %arg5[%add3A_446, %add3A_11] : memref<512x128xi32, #tpu.memory_space<vmem>>[vector<16xi32>, vector<16xi32>], vector<16xi32>,
      %add3A_448 = vector.broadcast %mul3A_13 : i32 to vector<16xi32>
      %add3A_449 = arith.addi %gather3A_447, %add3A_448 : vector<16xi32>
      %shift_right_logical3A_450 = arith.constant 12 : i32
      %shift_right_logical3A_451 = vector.broadcast %shift_right_logical3A_450 : i32 to vector<16xi32>
      %shift_right_logical3A_452 = arith.shrui %add3A_449, %shift_right_logical3A_451 : vector<16xi32>
      %shift_left3A_453 = arith.constant 12 : i32
      %shift_left3A_454 = vector.broadcast %shift_left3A_453 : i32 to vector<16xi32>
      %shift_left3A_455 = arith.shli %shift_right_logical3A_452, %shift_left3A_454 : vector<16xi32>
      %and3A_456 = arith.constant 1023 : i32
      %and3A_457 = vector.broadcast %and3A_456 : i32 to vector<16xi32>
      %and3A_458 = arith.andi %add3A_449, %and3A_457 : vector<16xi32>
      %shift_left3A_459 = arith.constant 2 : i32
      %shift_left3A_460 = vector.broadcast %shift_left3A_459 : i32 to vector<16xi32>
      %shift_left3A_461 = arith.shli %and3A_458, %shift_left3A_460 : vector<16xi32>
      %add3A_462 = arith.addi %shift_left3A_455, %shift_left3A_461 : vector<16xi32>
      %shift_right_logical3A_463 = arith.constant 10 : i32
      %shift_right_logical3A_464 = vector.broadcast %shift_right_logical3A_463 : i32 to vector<16xi32>
      %shift_right_logical3A_465 = arith.shrui %add3A_449, %shift_right_logical3A_464 : vector<16xi32>
      %and3A_466 = arith.constant 3 : i32
      %and3A_467 = vector.broadcast %and3A_466 : i32 to vector<16xi32>
      %and3A_468 = arith.andi %shift_right_logical3A_465, %and3A_467 : vector<16xi32>
      %add3A_469 = arith.addi %add3A_462, %and3A_468 : vector<16xi32>
      %swap3A_470 = arith.constant 240 : index
      %swap3A_471 = tpu.vector_load %arg6[%swap3A_470] {strides = array<i32>} : memref<512xi32, #tpu.memory_space<vmem>>, vector<16xi32>,
      tpu.vector_store %arg6[%swap3A_470], %add3A_469 {strides = array<i32>} : memref<512xi32, #tpu.memory_space<vmem>>, vector<16xi32>,
      %iota3A_472 = tpu.iota {dimensions = array<i32: 0>} : vector<16xi32>
      %add3A_473 = arith.constant 256 : i32
      %add3A_474 = vector.broadcast %add3A_473 : i32 to vector<16xi32>
      %add3A_475 = arith.addi %iota3A_472, %add3A_474 : vector<16xi32>
      %gather3A_476 = tpu.vector_load_idx %arg5[%add3A_475, %add3A_11] : memref<512x128xi32, #tpu.memory_space<vmem>>[vector<16xi32>, vector<16xi32>], vector<16xi32>,
      %add3A_477 = vector.broadcast %mul3A_13 : i32 to vector<16xi32>
      %add3A_478 = arith.addi %gather3A_476, %add3A_477 : vector<16xi32>
      %shift_right_logical3A_479 = arith.constant 12 : i32
      %shift_right_logical3A_480 = vector.broadcast %shift_right_logical3A_479 : i32 to vector<16xi32>
      %shift_right_logical3A_481 = arith.shrui %add3A_478, %shift_right_logical3A_480 : vector<16xi32>
      %shift_left3A_482 = arith.constant 12 : i32
      %shift_left3A_483 = vector.broadcast %shift_left3A_482 : i32 to vector<16xi32>
      %shift_left3A_484 = arith.shli %shift_right_logical3A_481, %shift_left3A_483 : vector<16xi32>
      %and3A_485 = arith.constant 1023 : i32
      %and3A_486 = vector.broadcast %and3A_485 : i32 to vector<16xi32>
      %and3A_487 = arith.andi %add3A_478, %and3A_486 : vector<16xi32>
      %shift_left3A_488 = arith.constant 2 : i32
      %shift_left3A_489 = vector.broadcast %shift_left3A_488 : i32 to vector<16xi32>
      %shift_left3A_490 = arith.shli %and3A_487, %shift_left3A_489 : vector<16xi32>
      %add3A_491 = arith.addi %shift_left3A_484, %shift_left3A_490 : vector<16xi32>
      %shift_right_logical3A_492 = arith.constant 10 : i32
      %shift_right_logical3A_493 = vector.broadcast %shift_right_logical3A_492 : i32 to vector<16xi32>
      %shift_right_logical3A_494 = arith.shrui %add3A_478, %shift_right_logical3A_493 : vector<16xi32>
      %and3A_495 = arith.constant 3 : i32
      %and3A_496 = vector.broadcast %and3A_495 : i32 to vector<16xi32>
      %and3A_497 = arith.andi %shift_right_logical3A_494, %and3A_496 : vector<16xi32>
      %add3A_498 = arith.addi %add3A_491, %and3A_497 : vector<16xi32>
      %swap3A_499 = arith.constant 256 : index
      %swap3A_500 = tpu.vector_load %arg6[%swap3A_499] {strides = array<i32>} : memref<512xi32, #tpu.memory_space<vmem>>, vector<16xi32>,
      tpu.vector_store %arg6[%swap3A_499], %add3A_498 {strides = array<i32>} : memref<512xi32, #tpu.memory_space<vmem>>, vector<16xi32>,
      %iota3A_501 = tpu.iota {dimensions = array<i32: 0>} : vector<16xi32>
      %add3A_502 = arith.constant 272 : i32
      %add3A_503 = vector.broadcast %add3A_502 : i32 to vector<16xi32>
      %add3A_504 = arith.addi %iota3A_501, %add3A_503 : vector<16xi32>
      %gather3A_505 = tpu.vector_load_idx %arg5[%add3A_504, %add3A_11] : memref<512x128xi32, #tpu.memory_space<vmem>>[vector<16xi32>, vector<16xi32>], vector<16xi32>,
      %add3A_506 = vector.broadcast %mul3A_13 : i32 to vector<16xi32>
      %add3A_507 = arith.addi %gather3A_505, %add3A_506 : vector<16xi32>
      %shift_right_logical3A_508 = arith.constant 12 : i32
      %shift_right_logical3A_509 = vector.broadcast %shift_right_logical3A_508 : i32 to vector<16xi32>
      %shift_right_logical3A_510 = arith.shrui %add3A_507, %shift_right_logical3A_509 : vector<16xi32>
      %shift_left3A_511 = arith.constant 12 : i32
      %shift_left3A_512 = vector.broadcast %shift_left3A_511 : i32 to vector<16xi32>
      %shift_left3A_513 = arith.shli %shift_right_logical3A_510, %shift_left3A_512 : vector<16xi32>
      %and3A_514 = arith.constant 1023 : i32
      %and3A_515 = vector.broadcast %and3A_514 : i32 to vector<16xi32>
      %and3A_516 = arith.andi %add3A_507, %and3A_515 : vector<16xi32>
      %shift_left3A_517 = arith.constant 2 : i32
      %shift_left3A_518 = vector.broadcast %shift_left3A_517 : i32 to vector<16xi32>
      %shift_left3A_519 = arith.shli %and3A_516, %shift_left3A_518 : vector<16xi32>
      %add3A_520 = arith.addi %shift_left3A_513, %shift_left3A_519 : vector<16xi32>
      %shift_right_logical3A_521 = arith.constant 10 : i32
      %shift_right_logical3A_522 = vector.broadcast %shift_right_logical3A_521 : i32 to vector<16xi32>
      %shift_right_logical3A_523 = arith.shrui %add3A_507, %shift_right_logical3A_522 : vector<16xi32>
      %and3A_524 = arith.constant 3 : i32
      %and3A_525 = vector.broadcast %and3A_524 : i32 to vector<16xi32>
      %and3A_526 = arith.andi %shift_right_logical3A_523, %and3A_525 : vector<16xi32>
      %add3A_527 = arith.addi %add3A_520, %and3A_526 : vector<16xi32>
      %swap3A_528 = arith.constant 272 : index
      %swap3A_529 = tpu.vector_load %arg6[%swap3A_528] {strides = array<i32>} : memref<512xi32, #tpu.memory_space<vmem>>, vector<16xi32>,
      tpu.vector_store %arg6[%swap3A_528], %add3A_527 {strides = array<i32>} : memref<512xi32, #tpu.memory_space<vmem>>, vector<16xi32>,
      %iota3A_530 = tpu.iota {dimensions = array<i32: 0>} : vector<16xi32>
      %add3A_531 = arith.constant 288 : i32
      %add3A_532 = vector.broadcast %add3A_531 : i32 to vector<16xi32>
      %add3A_533 = arith.addi %iota3A_530, %add3A_532 : vector<16xi32>
      %gather3A_534 = tpu.vector_load_idx %arg5[%add3A_533, %add3A_11] : memref<512x128xi32, #tpu.memory_space<vmem>>[vector<16xi32>, vector<16xi32>], vector<16xi32>,
      %add3A_535 = vector.broadcast %mul3A_13 : i32 to vector<16xi32>
      %add3A_536 = arith.addi %gather3A_534, %add3A_535 : vector<16xi32>
      %shift_right_logical3A_537 = arith.constant 12 : i32
      %shift_right_logical3A_538 = vector.broadcast %shift_right_logical3A_537 : i32 to vector<16xi32>
      %shift_right_logical3A_539 = arith.shrui %add3A_536, %shift_right_logical3A_538 : vector<16xi32>
      %shift_left3A_540 = arith.constant 12 : i32
      %shift_left3A_541 = vector.broadcast %shift_left3A_540 : i32 to vector<16xi32>
      %shift_left3A_542 = arith.shli %shift_right_logical3A_539, %shift_left3A_541 : vector<16xi32>
      %and3A_543 = arith.constant 1023 : i32
      %and3A_544 = vector.broadcast %and3A_543 : i32 to vector<16xi32>
      %and3A_545 = arith.andi %add3A_536, %and3A_544 : vector<16xi32>
      %shift_left3A_546 = arith.constant 2 : i32
      %shift_left3A_547 = vector.broadcast %shift_left3A_546 : i32 to vector<16xi32>
      %shift_left3A_548 = arith.shli %and3A_545, %shift_left3A_547 : vector<16xi32>
      %add3A_549 = arith.addi %shift_left3A_542, %shift_left3A_548 : vector<16xi32>
      %shift_right_logical3A_550 = arith.constant 10 : i32
      %shift_right_logical3A_551 = vector.broadcast %shift_right_logical3A_550 : i32 to vector<16xi32>
      %shift_right_logical3A_552 = arith.shrui %add3A_536, %shift_right_logical3A_551 : vector<16xi32>
      %and3A_553 = arith.constant 3 : i32
      %and3A_554 = vector.broadcast %and3A_553 : i32 to vector<16xi32>
      %and3A_555 = arith.andi %shift_right_logical3A_552, %and3A_554 : vector<16xi32>
      %add3A_556 = arith.addi %add3A_549, %and3A_555 : vector<16xi32>
      %swap3A_557 = arith.constant 288 : index
      %swap3A_558 = tpu.vector_load %arg6[%swap3A_557] {strides = array<i32>} : memref<512xi32, #tpu.memory_space<vmem>>, vector<16xi32>,
      tpu.vector_store %arg6[%swap3A_557], %add3A_556 {strides = array<i32>} : memref<512xi32, #tpu.memory_space<vmem>>, vector<16xi32>,
      %iota3A_559 = tpu.iota {dimensions = array<i32: 0>} : vector<16xi32>
      %add3A_560 = arith.constant 304 : i32
      %add3A_561 = vector.broadcast %add3A_560 : i32 to vector<16xi32>
      %add3A_562 = arith.addi %iota3A_559, %add3A_561 : vector<16xi32>
      %gather3A_563 = tpu.vector_load_idx %arg5[%add3A_562, %add3A_11] : memref<512x128xi32, #tpu.memory_space<vmem>>[vector<16xi32>, vector<16xi32>], vector<16xi32>,
      %add3A_564 = vector.broadcast %mul3A_13 : i32 to vector<16xi32>
      %add3A_565 = arith.addi %gather3A_563, %add3A_564 : vector<16xi32>
      %shift_right_logical3A_566 = arith.constant 12 : i32
      %shift_right_logical3A_567 = vector.broadcast %shift_right_logical3A_566 : i32 to vector<16xi32>
      %shift_right_logical3A_568 = arith.shrui %add3A_565, %shift_right_logical3A_567 : vector<16xi32>
      %shift_left3A_569 = arith.constant 12 : i32
      %shift_left3A_570 = vector.broadcast %shift_left3A_569 : i32 to vector<16xi32>
      %shift_left3A_571 = arith.shli %shift_right_logical3A_568, %shift_left3A_570 : vector<16xi32>
      %and3A_572 = arith.constant 1023 : i32
      %and3A_573 = vector.broadcast %and3A_572 : i32 to vector<16xi32>
      %and3A_574 = arith.andi %add3A_565, %and3A_573 : vector<16xi32>
      %shift_left3A_575 = arith.constant 2 : i32
      %shift_left3A_576 = vector.broadcast %shift_left3A_575 : i32 to vector<16xi32>
      %shift_left3A_577 = arith.shli %and3A_574, %shift_left3A_576 : vector<16xi32>
      %add3A_578 = arith.addi %shift_left3A_571, %shift_left3A_577 : vector<16xi32>
      %shift_right_logical3A_579 = arith.constant 10 : i32
      %shift_right_logical3A_580 = vector.broadcast %shift_right_logical3A_579 : i32 to vector<16xi32>
      %shift_right_logical3A_581 = arith.shrui %add3A_565, %shift_right_logical3A_580 : vector<16xi32>
      %and3A_582 = arith.constant 3 : i32
      %and3A_583 = vector.broadcast %and3A_582 : i32 to vector<16xi32>
      %and3A_584 = arith.andi %shift_right_logical3A_581, %and3A_583 : vector<16xi32>
      %add3A_585 = arith.addi %add3A_578, %and3A_584 : vector<16xi32>
      %swap3A_586 = arith.constant 304 : index
      %swap3A_587 = tpu.vector_load %arg6[%swap3A_586] {strides = array<i32>} : memref<512xi32, #tpu.memory_space<vmem>>, vector<16xi32>,
      tpu.vector_store %arg6[%swap3A_586], %add3A_585 {strides = array<i32>} : memref<512xi32, #tpu.memory_space<vmem>>, vector<16xi32>,
      %iota3A_588 = tpu.iota {dimensions = array<i32: 0>} : vector<16xi32>
      %add3A_589 = arith.constant 320 : i32
      %add3A_590 = vector.broadcast %add3A_589 : i32 to vector<16xi32>
      %add3A_591 = arith.addi %iota3A_588, %add3A_590 : vector<16xi32>
      %gather3A_592 = tpu.vector_load_idx %arg5[%add3A_591, %add3A_11] : memref<512x128xi32, #tpu.memory_space<vmem>>[vector<16xi32>, vector<16xi32>], vector<16xi32>,
      %add3A_593 = vector.broadcast %mul3A_13 : i32 to vector<16xi32>
      %add3A_594 = arith.addi %gather3A_592, %add3A_593 : vector<16xi32>
      %shift_right_logical3A_595 = arith.constant 12 : i32
      %shift_right_logical3A_596 = vector.broadcast %shift_right_logical3A_595 : i32 to vector<16xi32>
      %shift_right_logical3A_597 = arith.shrui %add3A_594, %shift_right_logical3A_596 : vector<16xi32>
      %shift_left3A_598 = arith.constant 12 : i32
      %shift_left3A_599 = vector.broadcast %shift_left3A_598 : i32 to vector<16xi32>
      %shift_left3A_600 = arith.shli %shift_right_logical3A_597, %shift_left3A_599 : vector<16xi32>
      %and3A_601 = arith.constant 1023 : i32
      %and3A_602 = vector.broadcast %and3A_601 : i32 to vector<16xi32>
      %and3A_603 = arith.andi %add3A_594, %and3A_602 : vector<16xi32>
      %shift_left3A_604 = arith.constant 2 : i32
      %shift_left3A_605 = vector.broadcast %shift_left3A_604 : i32 to vector<16xi32>
      %shift_left3A_606 = arith.shli %and3A_603, %shift_left3A_605 : vector<16xi32>
      %add3A_607 = arith.addi %shift_left3A_600, %shift_left3A_606 : vector<16xi32>
      %shift_right_logical3A_608 = arith.constant 10 : i32
      %shift_right_logical3A_609 = vector.broadcast %shift_right_logical3A_608 : i32 to vector<16xi32>
      %shift_right_logical3A_610 = arith.shrui %add3A_594, %shift_right_logical3A_609 : vector<16xi32>
      %and3A_611 = arith.constant 3 : i32
      %and3A_612 = vector.broadcast %and3A_611 : i32 to vector<16xi32>
      %and3A_613 = arith.andi %shift_right_logical3A_610, %and3A_612 : vector<16xi32>
      %add3A_614 = arith.addi %add3A_607, %and3A_613 : vector<16xi32>
      %swap3A_615 = arith.constant 320 : index
      %swap3A_616 = tpu.vector_load %arg6[%swap3A_615] {strides = array<i32>} : memref<512xi32, #tpu.memory_space<vmem>>, vector<16xi32>,
      tpu.vector_store %arg6[%swap3A_615], %add3A_614 {strides = array<i32>} : memref<512xi32, #tpu.memory_space<vmem>>, vector<16xi32>,
      %iota3A_617 = tpu.iota {dimensions = array<i32: 0>} : vector<16xi32>
      %add3A_618 = arith.constant 336 : i32
      %add3A_619 = vector.broadcast %add3A_618 : i32 to vector<16xi32>
      %add3A_620 = arith.addi %iota3A_617, %add3A_619 : vector<16xi32>
      %gather3A_621 = tpu.vector_load_idx %arg5[%add3A_620, %add3A_11] : memref<512x128xi32, #tpu.memory_space<vmem>>[vector<16xi32>, vector<16xi32>], vector<16xi32>,
      %add3A_622 = vector.broadcast %mul3A_13 : i32 to vector<16xi32>
      %add3A_623 = arith.addi %gather3A_621, %add3A_622 : vector<16xi32>
      %shift_right_logical3A_624 = arith.constant 12 : i32
      %shift_right_logical3A_625 = vector.broadcast %shift_right_logical3A_624 : i32 to vector<16xi32>
      %shift_right_logical3A_626 = arith.shrui %add3A_623, %shift_right_logical3A_625 : vector<16xi32>
      %shift_left3A_627 = arith.constant 12 : i32
      %shift_left3A_628 = vector.broadcast %shift_left3A_627 : i32 to vector<16xi32>
      %shift_left3A_629 = arith.shli %shift_right_logical3A_626, %shift_left3A_628 : vector<16xi32>
      %and3A_630 = arith.constant 1023 : i32
      %and3A_631 = vector.broadcast %and3A_630 : i32 to vector<16xi32>
      %and3A_632 = arith.andi %add3A_623, %and3A_631 : vector<16xi32>
      %shift_left3A_633 = arith.constant 2 : i32
      %shift_left3A_634 = vector.broadcast %shift_left3A_633 : i32 to vector<16xi32>
      %shift_left3A_635 = arith.shli %and3A_632, %shift_left3A_634 : vector<16xi32>
      %add3A_636 = arith.addi %shift_left3A_629, %shift_left3A_635 : vector<16xi32>
      %shift_right_logical3A_637 = arith.constant 10 : i32
      %shift_right_logical3A_638 = vector.broadcast %shift_right_logical3A_637 : i32 to vector<16xi32>
      %shift_right_logical3A_639 = arith.shrui %add3A_623, %shift_right_logical3A_638 : vector<16xi32>
      %and3A_640 = arith.constant 3 : i32
      %and3A_641 = vector.broadcast %and3A_640 : i32 to vector<16xi32>
      %and3A_642 = arith.andi %shift_right_logical3A_639, %and3A_641 : vector<16xi32>
      %add3A_643 = arith.addi %add3A_636, %and3A_642 : vector<16xi32>
      %swap3A_644 = arith.constant 336 : index
      %swap3A_645 = tpu.vector_load %arg6[%swap3A_644] {strides = array<i32>} : memref<512xi32, #tpu.memory_space<vmem>>, vector<16xi32>,
      tpu.vector_store %arg6[%swap3A_644], %add3A_643 {strides = array<i32>} : memref<512xi32, #tpu.memory_space<vmem>>, vector<16xi32>,
      %iota3A_646 = tpu.iota {dimensions = array<i32: 0>} : vector<16xi32>
      %add3A_647 = arith.constant 352 : i32
      %add3A_648 = vector.broadcast %add3A_647 : i32 to vector<16xi32>
      %add3A_649 = arith.addi %iota3A_646, %add3A_648 : vector<16xi32>
      %gather3A_650 = tpu.vector_load_idx %arg5[%add3A_649, %add3A_11] : memref<512x128xi32, #tpu.memory_space<vmem>>[vector<16xi32>, vector<16xi32>], vector<16xi32>,
      %add3A_651 = vector.broadcast %mul3A_13 : i32 to vector<16xi32>
      %add3A_652 = arith.addi %gather3A_650, %add3A_651 : vector<16xi32>
      %shift_right_logical3A_653 = arith.constant 12 : i32
      %shift_right_logical3A_654 = vector.broadcast %shift_right_logical3A_653 : i32 to vector<16xi32>
      %shift_right_logical3A_655 = arith.shrui %add3A_652, %shift_right_logical3A_654 : vector<16xi32>
      %shift_left3A_656 = arith.constant 12 : i32
      %shift_left3A_657 = vector.broadcast %shift_left3A_656 : i32 to vector<16xi32>
      %shift_left3A_658 = arith.shli %shift_right_logical3A_655, %shift_left3A_657 : vector<16xi32>
      %and3A_659 = arith.constant 1023 : i32
      %and3A_660 = vector.broadcast %and3A_659 : i32 to vector<16xi32>
      %and3A_661 = arith.andi %add3A_652, %and3A_660 : vector<16xi32>
      %shift_left3A_662 = arith.constant 2 : i32
      %shift_left3A_663 = vector.broadcast %shift_left3A_662 : i32 to vector<16xi32>
      %shift_left3A_664 = arith.shli %and3A_661, %shift_left3A_663 : vector<16xi32>
      %add3A_665 = arith.addi %shift_left3A_658, %shift_left3A_664 : vector<16xi32>
      %shift_right_logical3A_666 = arith.constant 10 : i32
      %shift_right_logical3A_667 = vector.broadcast %shift_right_logical3A_666 : i32 to vector<16xi32>
      %shift_right_logical3A_668 = arith.shrui %add3A_652, %shift_right_logical3A_667 : vector<16xi32>
      %and3A_669 = arith.constant 3 : i32
      %and3A_670 = vector.broadcast %and3A_669 : i32 to vector<16xi32>
      %and3A_671 = arith.andi %shift_right_logical3A_668, %and3A_670 : vector<16xi32>
      %add3A_672 = arith.addi %add3A_665, %and3A_671 : vector<16xi32>
      %swap3A_673 = arith.constant 352 : index
      %swap3A_674 = tpu.vector_load %arg6[%swap3A_673] {strides = array<i32>} : memref<512xi32, #tpu.memory_space<vmem>>, vector<16xi32>,
      tpu.vector_store %arg6[%swap3A_673], %add3A_672 {strides = array<i32>} : memref<512xi32, #tpu.memory_space<vmem>>, vector<16xi32>,
      %iota3A_675 = tpu.iota {dimensions = array<i32: 0>} : vector<16xi32>
      %add3A_676 = arith.constant 368 : i32
      %add3A_677 = vector.broadcast %add3A_676 : i32 to vector<16xi32>
      %add3A_678 = arith.addi %iota3A_675, %add3A_677 : vector<16xi32>
      %gather3A_679 = tpu.vector_load_idx %arg5[%add3A_678, %add3A_11] : memref<512x128xi32, #tpu.memory_space<vmem>>[vector<16xi32>, vector<16xi32>], vector<16xi32>,
      %add3A_680 = vector.broadcast %mul3A_13 : i32 to vector<16xi32>
      %add3A_681 = arith.addi %gather3A_679, %add3A_680 : vector<16xi32>
      %shift_right_logical3A_682 = arith.constant 12 : i32
      %shift_right_logical3A_683 = vector.broadcast %shift_right_logical3A_682 : i32 to vector<16xi32>
      %shift_right_logical3A_684 = arith.shrui %add3A_681, %shift_right_logical3A_683 : vector<16xi32>
      %shift_left3A_685 = arith.constant 12 : i32
      %shift_left3A_686 = vector.broadcast %shift_left3A_685 : i32 to vector<16xi32>
      %shift_left3A_687 = arith.shli %shift_right_logical3A_684, %shift_left3A_686 : vector<16xi32>
      %and3A_688 = arith.constant 1023 : i32
      %and3A_689 = vector.broadcast %and3A_688 : i32 to vector<16xi32>
      %and3A_690 = arith.andi %add3A_681, %and3A_689 : vector<16xi32>
      %shift_left3A_691 = arith.constant 2 : i32
      %shift_left3A_692 = vector.broadcast %shift_left3A_691 : i32 to vector<16xi32>
      %shift_left3A_693 = arith.shli %and3A_690, %shift_left3A_692 : vector<16xi32>
      %add3A_694 = arith.addi %shift_left3A_687, %shift_left3A_693 : vector<16xi32>
      %shift_right_logical3A_695 = arith.constant 10 : i32
      %shift_right_logical3A_696 = vector.broadcast %shift_right_logical3A_695 : i32 to vector<16xi32>
      %shift_right_logical3A_697 = arith.shrui %add3A_681, %shift_right_logical3A_696 : vector<16xi32>
      %and3A_698 = arith.constant 3 : i32
      %and3A_699 = vector.broadcast %and3A_698 : i32 to vector<16xi32>
      %and3A_700 = arith.andi %shift_right_logical3A_697, %and3A_699 : vector<16xi32>
      %add3A_701 = arith.addi %add3A_694, %and3A_700 : vector<16xi32>
      %swap3A_702 = arith.constant 368 : index
      %swap3A_703 = tpu.vector_load %arg6[%swap3A_702] {strides = array<i32>} : memref<512xi32, #tpu.memory_space<vmem>>, vector<16xi32>,
      tpu.vector_store %arg6[%swap3A_702], %add3A_701 {strides = array<i32>} : memref<512xi32, #tpu.memory_space<vmem>>, vector<16xi32>,
      %iota3A_704 = tpu.iota {dimensions = array<i32: 0>} : vector<16xi32>
      %add3A_705 = arith.constant 384 : i32
      %add3A_706 = vector.broadcast %add3A_705 : i32 to vector<16xi32>
      %add3A_707 = arith.addi %iota3A_704, %add3A_706 : vector<16xi32>
      %gather3A_708 = tpu.vector_load_idx %arg5[%add3A_707, %add3A_11] : memref<512x128xi32, #tpu.memory_space<vmem>>[vector<16xi32>, vector<16xi32>], vector<16xi32>,
      %add3A_709 = vector.broadcast %mul3A_13 : i32 to vector<16xi32>
      %add3A_710 = arith.addi %gather3A_708, %add3A_709 : vector<16xi32>
      %shift_right_logical3A_711 = arith.constant 12 : i32
      %shift_right_logical3A_712 = vector.broadcast %shift_right_logical3A_711 : i32 to vector<16xi32>
      %shift_right_logical3A_713 = arith.shrui %add3A_710, %shift_right_logical3A_712 : vector<16xi32>
      %shift_left3A_714 = arith.constant 12 : i32
      %shift_left3A_715 = vector.broadcast %shift_left3A_714 : i32 to vector<16xi32>
      %shift_left3A_716 = arith.shli %shift_right_logical3A_713, %shift_left3A_715 : vector<16xi32>
      %and3A_717 = arith.constant 1023 : i32
      %and3A_718 = vector.broadcast %and3A_717 : i32 to vector<16xi32>
      %and3A_719 = arith.andi %add3A_710, %and3A_718 : vector<16xi32>
      %shift_left3A_720 = arith.constant 2 : i32
      %shift_left3A_721 = vector.broadcast %shift_left3A_720 : i32 to vector<16xi32>
      %shift_left3A_722 = arith.shli %and3A_719, %shift_left3A_721 : vector<16xi32>
      %add3A_723 = arith.addi %shift_left3A_716, %shift_left3A_722 : vector<16xi32>
      %shift_right_logical3A_724 = arith.constant 10 : i32
      %shift_right_logical3A_725 = vector.broadcast %shift_right_logical3A_724 : i32 to vector<16xi32>
      %shift_right_logical3A_726 = arith.shrui %add3A_710, %shift_right_logical3A_725 : vector<16xi32>
      %and3A_727 = arith.constant 3 : i32
      %and3A_728 = vector.broadcast %and3A_727 : i32 to vector<16xi32>
      %and3A_729 = arith.andi %shift_right_logical3A_726, %and3A_728 : vector<16xi32>
      %add3A_730 = arith.addi %add3A_723, %and3A_729 : vector<16xi32>
      %swap3A_731 = arith.constant 384 : index
      %swap3A_732 = tpu.vector_load %arg6[%swap3A_731] {strides = array<i32>} : memref<512xi32, #tpu.memory_space<vmem>>, vector<16xi32>,
      tpu.vector_store %arg6[%swap3A_731], %add3A_730 {strides = array<i32>} : memref<512xi32, #tpu.memory_space<vmem>>, vector<16xi32>,
      %iota3A_733 = tpu.iota {dimensions = array<i32: 0>} : vector<16xi32>
      %add3A_734 = arith.constant 400 : i32
      %add3A_735 = vector.broadcast %add3A_734 : i32 to vector<16xi32>
      %add3A_736 = arith.addi %iota3A_733, %add3A_735 : vector<16xi32>
      %gather3A_737 = tpu.vector_load_idx %arg5[%add3A_736, %add3A_11] : memref<512x128xi32, #tpu.memory_space<vmem>>[vector<16xi32>, vector<16xi32>], vector<16xi32>,
      %add3A_738 = vector.broadcast %mul3A_13 : i32 to vector<16xi32>
      %add3A_739 = arith.addi %gather3A_737, %add3A_738 : vector<16xi32>
      %shift_right_logical3A_740 = arith.constant 12 : i32
      %shift_right_logical3A_741 = vector.broadcast %shift_right_logical3A_740 : i32 to vector<16xi32>
      %shift_right_logical3A_742 = arith.shrui %add3A_739, %shift_right_logical3A_741 : vector<16xi32>
      %shift_left3A_743 = arith.constant 12 : i32
      %shift_left3A_744 = vector.broadcast %shift_left3A_743 : i32 to vector<16xi32>
      %shift_left3A_745 = arith.shli %shift_right_logical3A_742, %shift_left3A_744 : vector<16xi32>
      %and3A_746 = arith.constant 1023 : i32
      %and3A_747 = vector.broadcast %and3A_746 : i32 to vector<16xi32>
      %and3A_748 = arith.andi %add3A_739, %and3A_747 : vector<16xi32>
      %shift_left3A_749 = arith.constant 2 : i32
      %shift_left3A_750 = vector.broadcast %shift_left3A_749 : i32 to vector<16xi32>
      %shift_left3A_751 = arith.shli %and3A_748, %shift_left3A_750 : vector<16xi32>
      %add3A_752 = arith.addi %shift_left3A_745, %shift_left3A_751 : vector<16xi32>
      %shift_right_logical3A_753 = arith.constant 10 : i32
      %shift_right_logical3A_754 = vector.broadcast %shift_right_logical3A_753 : i32 to vector<16xi32>
      %shift_right_logical3A_755 = arith.shrui %add3A_739, %shift_right_logical3A_754 : vector<16xi32>
      %and3A_756 = arith.constant 3 : i32
      %and3A_757 = vector.broadcast %and3A_756 : i32 to vector<16xi32>
      %and3A_758 = arith.andi %shift_right_logical3A_755, %and3A_757 : vector<16xi32>
      %add3A_759 = arith.addi %add3A_752, %and3A_758 : vector<16xi32>
      %swap3A_760 = arith.constant 400 : index
      %swap3A_761 = tpu.vector_load %arg6[%swap3A_760] {strides = array<i32>} : memref<512xi32, #tpu.memory_space<vmem>>, vector<16xi32>,
      tpu.vector_store %arg6[%swap3A_760], %add3A_759 {strides = array<i32>} : memref<512xi32, #tpu.memory_space<vmem>>, vector<16xi32>,
      %iota3A_762 = tpu.iota {dimensions = array<i32: 0>} : vector<16xi32>
      %add3A_763 = arith.constant 416 : i32
      %add3A_764 = vector.broadcast %add3A_763 : i32 to vector<16xi32>
      %add3A_765 = arith.addi %iota3A_762, %add3A_764 : vector<16xi32>
      %gather3A_766 = tpu.vector_load_idx %arg5[%add3A_765, %add3A_11] : memref<512x128xi32, #tpu.memory_space<vmem>>[vector<16xi32>, vector<16xi32>], vector<16xi32>,
      %add3A_767 = vector.broadcast %mul3A_13 : i32 to vector<16xi32>
      %add3A_768 = arith.addi %gather3A_766, %add3A_767 : vector<16xi32>
      %shift_right_logical3A_769 = arith.constant 12 : i32
      %shift_right_logical3A_770 = vector.broadcast %shift_right_logical3A_769 : i32 to vector<16xi32>
      %shift_right_logical3A_771 = arith.shrui %add3A_768, %shift_right_logical3A_770 : vector<16xi32>
      %shift_left3A_772 = arith.constant 12 : i32
      %shift_left3A_773 = vector.broadcast %shift_left3A_772 : i32 to vector<16xi32>
      %shift_left3A_774 = arith.shli %shift_right_logical3A_771, %shift_left3A_773 : vector<16xi32>
      %and3A_775 = arith.constant 1023 : i32
      %and3A_776 = vector.broadcast %and3A_775 : i32 to vector<16xi32>
      %and3A_777 = arith.andi %add3A_768, %and3A_776 : vector<16xi32>
      %shift_left3A_778 = arith.constant 2 : i32
      %shift_left3A_779 = vector.broadcast %shift_left3A_778 : i32 to vector<16xi32>
      %shift_left3A_780 = arith.shli %and3A_777, %shift_left3A_779 : vector<16xi32>
      %add3A_781 = arith.addi %shift_left3A_774, %shift_left3A_780 : vector<16xi32>
      %shift_right_logical3A_782 = arith.constant 10 : i32
      %shift_right_logical3A_783 = vector.broadcast %shift_right_logical3A_782 : i32 to vector<16xi32>
      %shift_right_logical3A_784 = arith.shrui %add3A_768, %shift_right_logical3A_783 : vector<16xi32>
      %and3A_785 = arith.constant 3 : i32
      %and3A_786 = vector.broadcast %and3A_785 : i32 to vector<16xi32>
      %and3A_787 = arith.andi %shift_right_logical3A_784, %and3A_786 : vector<16xi32>
      %add3A_788 = arith.addi %add3A_781, %and3A_787 : vector<16xi32>
      %swap3A_789 = arith.constant 416 : index
      %swap3A_790 = tpu.vector_load %arg6[%swap3A_789] {strides = array<i32>} : memref<512xi32, #tpu.memory_space<vmem>>, vector<16xi32>,
      tpu.vector_store %arg6[%swap3A_789], %add3A_788 {strides = array<i32>} : memref<512xi32, #tpu.memory_space<vmem>>, vector<16xi32>,
      %iota3A_791 = tpu.iota {dimensions = array<i32: 0>} : vector<16xi32>
      %add3A_792 = arith.constant 432 : i32
      %add3A_793 = vector.broadcast %add3A_792 : i32 to vector<16xi32>
      %add3A_794 = arith.addi %iota3A_791, %add3A_793 : vector<16xi32>
      %gather3A_795 = tpu.vector_load_idx %arg5[%add3A_794, %add3A_11] : memref<512x128xi32, #tpu.memory_space<vmem>>[vector<16xi32>, vector<16xi32>], vector<16xi32>,
      %add3A_796 = vector.broadcast %mul3A_13 : i32 to vector<16xi32>
      %add3A_797 = arith.addi %gather3A_795, %add3A_796 : vector<16xi32>
      %shift_right_logical3A_798 = arith.constant 12 : i32
      %shift_right_logical3A_799 = vector.broadcast %shift_right_logical3A_798 : i32 to vector<16xi32>
      %shift_right_logical3A_800 = arith.shrui %add3A_797, %shift_right_logical3A_799 : vector<16xi32>
      %shift_left3A_801 = arith.constant 12 : i32
      %shift_left3A_802 = vector.broadcast %shift_left3A_801 : i32 to vector<16xi32>
      %shift_left3A_803 = arith.shli %shift_right_logical3A_800, %shift_left3A_802 : vector<16xi32>
      %and3A_804 = arith.constant 1023 : i32
      %and3A_805 = vector.broadcast %and3A_804 : i32 to vector<16xi32>
      %and3A_806 = arith.andi %add3A_797, %and3A_805 : vector<16xi32>
      %shift_left3A_807 = arith.constant 2 : i32
      %shift_left3A_808 = vector.broadcast %shift_left3A_807 : i32 to vector<16xi32>
      %shift_left3A_809 = arith.shli %and3A_806, %shift_left3A_808 : vector<16xi32>
      %add3A_810 = arith.addi %shift_left3A_803, %shift_left3A_809 : vector<16xi32>
      %shift_right_logical3A_811 = arith.constant 10 : i32
      %shift_right_logical3A_812 = vector.broadcast %shift_right_logical3A_811 : i32 to vector<16xi32>
      %shift_right_logical3A_813 = arith.shrui %add3A_797, %shift_right_logical3A_812 : vector<16xi32>
      %and3A_814 = arith.constant 3 : i32
      %and3A_815 = vector.broadcast %and3A_814 : i32 to vector<16xi32>
      %and3A_816 = arith.andi %shift_right_logical3A_813, %and3A_815 : vector<16xi32>
      %add3A_817 = arith.addi %add3A_810, %and3A_816 : vector<16xi32>
      %swap3A_818 = arith.constant 432 : index
      %swap3A_819 = tpu.vector_load %arg6[%swap3A_818] {strides = array<i32>} : memref<512xi32, #tpu.memory_space<vmem>>, vector<16xi32>,
      tpu.vector_store %arg6[%swap3A_818], %add3A_817 {strides = array<i32>} : memref<512xi32, #tpu.memory_space<vmem>>, vector<16xi32>,
      %iota3A_820 = tpu.iota {dimensions = array<i32: 0>} : vector<16xi32>
      %add3A_821 = arith.constant 448 : i32
      %add3A_822 = vector.broadcast %add3A_821 : i32 to vector<16xi32>
      %add3A_823 = arith.addi %iota3A_820, %add3A_822 : vector<16xi32>
      %gather3A_824 = tpu.vector_load_idx %arg5[%add3A_823, %add3A_11] : memref<512x128xi32, #tpu.memory_space<vmem>>[vector<16xi32>, vector<16xi32>], vector<16xi32>,
      %add3A_825 = vector.broadcast %mul3A_13 : i32 to vector<16xi32>
      %add3A_826 = arith.addi %gather3A_824, %add3A_825 : vector<16xi32>
      %shift_right_logical3A_827 = arith.constant 12 : i32
      %shift_right_logical3A_828 = vector.broadcast %shift_right_logical3A_827 : i32 to vector<16xi32>
      %shift_right_logical3A_829 = arith.shrui %add3A_826, %shift_right_logical3A_828 : vector<16xi32>
      %shift_left3A_830 = arith.constant 12 : i32
      %shift_left3A_831 = vector.broadcast %shift_left3A_830 : i32 to vector<16xi32>
      %shift_left3A_832 = arith.shli %shift_right_logical3A_829, %shift_left3A_831 : vector<16xi32>
      %and3A_833 = arith.constant 1023 : i32
      %and3A_834 = vector.broadcast %and3A_833 : i32 to vector<16xi32>
      %and3A_835 = arith.andi %add3A_826, %and3A_834 : vector<16xi32>
      %shift_left3A_836 = arith.constant 2 : i32
      %shift_left3A_837 = vector.broadcast %shift_left3A_836 : i32 to vector<16xi32>
      %shift_left3A_838 = arith.shli %and3A_835, %shift_left3A_837 : vector<16xi32>
      %add3A_839 = arith.addi %shift_left3A_832, %shift_left3A_838 : vector<16xi32>
      %shift_right_logical3A_840 = arith.constant 10 : i32
      %shift_right_logical3A_841 = vector.broadcast %shift_right_logical3A_840 : i32 to vector<16xi32>
      %shift_right_logical3A_842 = arith.shrui %add3A_826, %shift_right_logical3A_841 : vector<16xi32>
      %and3A_843 = arith.constant 3 : i32
      %and3A_844 = vector.broadcast %and3A_843 : i32 to vector<16xi32>
      %and3A_845 = arith.andi %shift_right_logical3A_842, %and3A_844 : vector<16xi32>
      %add3A_846 = arith.addi %add3A_839, %and3A_845 : vector<16xi32>
      %swap3A_847 = arith.constant 448 : index
      %swap3A_848 = tpu.vector_load %arg6[%swap3A_847] {strides = array<i32>} : memref<512xi32, #tpu.memory_space<vmem>>, vector<16xi32>,
      tpu.vector_store %arg6[%swap3A_847], %add3A_846 {strides = array<i32>} : memref<512xi32, #tpu.memory_space<vmem>>, vector<16xi32>,
      %iota3A_849 = tpu.iota {dimensions = array<i32: 0>} : vector<16xi32>
      %add3A_850 = arith.constant 464 : i32
      %add3A_851 = vector.broadcast %add3A_850 : i32 to vector<16xi32>
      %add3A_852 = arith.addi %iota3A_849, %add3A_851 : vector<16xi32>
      %gather3A_853 = tpu.vector_load_idx %arg5[%add3A_852, %add3A_11] : memref<512x128xi32, #tpu.memory_space<vmem>>[vector<16xi32>, vector<16xi32>], vector<16xi32>,
      %add3A_854 = vector.broadcast %mul3A_13 : i32 to vector<16xi32>
      %add3A_855 = arith.addi %gather3A_853, %add3A_854 : vector<16xi32>
      %shift_right_logical3A_856 = arith.constant 12 : i32
      %shift_right_logical3A_857 = vector.broadcast %shift_right_logical3A_856 : i32 to vector<16xi32>
      %shift_right_logical3A_858 = arith.shrui %add3A_855, %shift_right_logical3A_857 : vector<16xi32>
      %shift_left3A_859 = arith.constant 12 : i32
      %shift_left3A_860 = vector.broadcast %shift_left3A_859 : i32 to vector<16xi32>
      %shift_left3A_861 = arith.shli %shift_right_logical3A_858, %shift_left3A_860 : vector<16xi32>
      %and3A_862 = arith.constant 1023 : i32
      %and3A_863 = vector.broadcast %and3A_862 : i32 to vector<16xi32>
      %and3A_864 = arith.andi %add3A_855, %and3A_863 : vector<16xi32>
      %shift_left3A_865 = arith.constant 2 : i32
      %shift_left3A_866 = vector.broadcast %shift_left3A_865 : i32 to vector<16xi32>
      %shift_left3A_867 = arith.shli %and3A_864, %shift_left3A_866 : vector<16xi32>
      %add3A_868 = arith.addi %shift_left3A_861, %shift_left3A_867 : vector<16xi32>
      %shift_right_logical3A_869 = arith.constant 10 : i32
      %shift_right_logical3A_870 = vector.broadcast %shift_right_logical3A_869 : i32 to vector<16xi32>
      %shift_right_logical3A_871 = arith.shrui %add3A_855, %shift_right_logical3A_870 : vector<16xi32>
      %and3A_872 = arith.constant 3 : i32
      %and3A_873 = vector.broadcast %and3A_872 : i32 to vector<16xi32>
      %and3A_874 = arith.andi %shift_right_logical3A_871, %and3A_873 : vector<16xi32>
      %add3A_875 = arith.addi %add3A_868, %and3A_874 : vector<16xi32>
      %swap3A_876 = arith.constant 464 : index
      %swap3A_877 = tpu.vector_load %arg6[%swap3A_876] {strides = array<i32>} : memref<512xi32, #tpu.memory_space<vmem>>, vector<16xi32>,
      tpu.vector_store %arg6[%swap3A_876], %add3A_875 {strides = array<i32>} : memref<512xi32, #tpu.memory_space<vmem>>, vector<16xi32>,
      %iota3A_878 = tpu.iota {dimensions = array<i32: 0>} : vector<16xi32>
      %add3A_879 = arith.constant 480 : i32
      %add3A_880 = vector.broadcast %add3A_879 : i32 to vector<16xi32>
      %add3A_881 = arith.addi %iota3A_878, %add3A_880 : vector<16xi32>
      %gather3A_882 = tpu.vector_load_idx %arg5[%add3A_881, %add3A_11] : memref<512x128xi32, #tpu.memory_space<vmem>>[vector<16xi32>, vector<16xi32>], vector<16xi32>,
      %add3A_883 = vector.broadcast %mul3A_13 : i32 to vector<16xi32>
      %add3A_884 = arith.addi %gather3A_882, %add3A_883 : vector<16xi32>
      %shift_right_logical3A_885 = arith.constant 12 : i32
      %shift_right_logical3A_886 = vector.broadcast %shift_right_logical3A_885 : i32 to vector<16xi32>
      %shift_right_logical3A_887 = arith.shrui %add3A_884, %shift_right_logical3A_886 : vector<16xi32>
      %shift_left3A_888 = arith.constant 12 : i32
      %shift_left3A_889 = vector.broadcast %shift_left3A_888 : i32 to vector<16xi32>
      %shift_left3A_890 = arith.shli %shift_right_logical3A_887, %shift_left3A_889 : vector<16xi32>
      %and3A_891 = arith.constant 1023 : i32
      %and3A_892 = vector.broadcast %and3A_891 : i32 to vector<16xi32>
      %and3A_893 = arith.andi %add3A_884, %and3A_892 : vector<16xi32>
      %shift_left3A_894 = arith.constant 2 : i32
      %shift_left3A_895 = vector.broadcast %shift_left3A_894 : i32 to vector<16xi32>
      %shift_left3A_896 = arith.shli %and3A_893, %shift_left3A_895 : vector<16xi32>
      %add3A_897 = arith.addi %shift_left3A_890, %shift_left3A_896 : vector<16xi32>
      %shift_right_logical3A_898 = arith.constant 10 : i32
      %shift_right_logical3A_899 = vector.broadcast %shift_right_logical3A_898 : i32 to vector<16xi32>
      %shift_right_logical3A_900 = arith.shrui %add3A_884, %shift_right_logical3A_899 : vector<16xi32>
      %and3A_901 = arith.constant 3 : i32
      %and3A_902 = vector.broadcast %and3A_901 : i32 to vector<16xi32>
      %and3A_903 = arith.andi %shift_right_logical3A_900, %and3A_902 : vector<16xi32>
      %add3A_904 = arith.addi %add3A_897, %and3A_903 : vector<16xi32>
      %swap3A_905 = arith.constant 480 : index
      %swap3A_906 = tpu.vector_load %arg6[%swap3A_905] {strides = array<i32>} : memref<512xi32, #tpu.memory_space<vmem>>, vector<16xi32>,
      tpu.vector_store %arg6[%swap3A_905], %add3A_904 {strides = array<i32>} : memref<512xi32, #tpu.memory_space<vmem>>, vector<16xi32>,
      %iota3A_907 = tpu.iota {dimensions = array<i32: 0>} : vector<16xi32>
      %add3A_908 = arith.constant 496 : i32
      %add3A_909 = vector.broadcast %add3A_908 : i32 to vector<16xi32>
      %add3A_910 = arith.addi %iota3A_907, %add3A_909 : vector<16xi32>
      %gather3A_911 = tpu.vector_load_idx %arg5[%add3A_910, %add3A_11] : memref<512x128xi32, #tpu.memory_space<vmem>>[vector<16xi32>, vector<16xi32>], vector<16xi32>,
      %add3A_912 = vector.broadcast %mul3A_13 : i32 to vector<16xi32>
      %add3A_913 = arith.addi %gather3A_911, %add3A_912 : vector<16xi32>
      %shift_right_logical3A_914 = arith.constant 12 : i32
      %shift_right_logical3A_915 = vector.broadcast %shift_right_logical3A_914 : i32 to vector<16xi32>
      %shift_right_logical3A_916 = arith.shrui %add3A_913, %shift_right_logical3A_915 : vector<16xi32>
      %shift_left3A_917 = arith.constant 12 : i32
      %shift_left3A_918 = vector.broadcast %shift_left3A_917 : i32 to vector<16xi32>
      %shift_left3A_919 = arith.shli %shift_right_logical3A_916, %shift_left3A_918 : vector<16xi32>
      %and3A_920 = arith.constant 1023 : i32
      %and3A_921 = vector.broadcast %and3A_920 : i32 to vector<16xi32>
      %and3A_922 = arith.andi %add3A_913, %and3A_921 : vector<16xi32>
      %shift_left3A_923 = arith.constant 2 : i32
      %shift_left3A_924 = vector.broadcast %shift_left3A_923 : i32 to vector<16xi32>
      %shift_left3A_925 = arith.shli %and3A_922, %shift_left3A_924 : vector<16xi32>
      %add3A_926 = arith.addi %shift_left3A_919, %shift_left3A_925 : vector<16xi32>
      %shift_right_logical3A_927 = arith.constant 10 : i32
      %shift_right_logical3A_928 = vector.broadcast %shift_right_logical3A_927 : i32 to vector<16xi32>
      %shift_right_logical3A_929 = arith.shrui %add3A_913, %shift_right_logical3A_928 : vector<16xi32>
      %and3A_930 = arith.constant 3 : i32
      %and3A_931 = vector.broadcast %and3A_930 : i32 to vector<16xi32>
      %and3A_932 = arith.andi %shift_right_logical3A_929, %and3A_931 : vector<16xi32>
      %add3A_933 = arith.addi %add3A_926, %and3A_932 : vector<16xi32>
      %swap3A_934 = arith.constant 496 : index
      %swap3A_935 = tpu.vector_load %arg6[%swap3A_934] {strides = array<i32>} : memref<512xi32, #tpu.memory_space<vmem>>, vector<16xi32>,
      tpu.vector_store %arg6[%swap3A_934], %add3A_933 {strides = array<i32>} : memref<512xi32, #tpu.memory_space<vmem>>, vector<16xi32>,
      %dma_start3A = arith.constant 0 : i32
      %dma_start3A_936 = arith.constant 0 : i32
      %dma_start3A_937 = arith.constant 0 : i32
      %dma_start3A_938 = tpu.memref_slice %arg7[%dma_start3A_936, %dma_start3A, %dma_start3A_937] : memref<512x1x32xf32, #tpu.memory_space<vmem>> -> memref<128x1x32xf32, #tpu.memory_space<vmem>>
      %dma_start3A_939 = tpu.memref_squeeze %dma_start3A_938 : memref<128x1x32xf32, #tpu.memory_space<vmem>> -> memref<128x32xf32, #tpu.memory_space<vmem>>
      %dma_start3A_940 = arith.constant 0 : i32
      %dma_start3A_941 = tpu.memref_slice %arg6[%dma_start3A_940] : memref<512xi32, #tpu.memory_space<vmem>> -> memref<128xi32, #tpu.memory_space<vmem>>
      %dma_start3A_942 = arith.constant 0 : i32
      %dma_start3A_943 = arith.constant 0 : i32
      %dma_start3A_944 = tpu.memref_slice %arg3[%dma_start3A_942, %dma_start3A_943] : memref<2600960x32xf32, #tpu.memory_space<hbm>> -> memref<2600960x32xf32, #tpu.memory_space<hbm>>
      tpu.enqueue_indirect_dma source(%dma_start3A_944 : memref<2600960x32xf32, #tpu.memory_space<hbm>>) target(%dma_start3A_939 : memref<128x32xf32, #tpu.memory_space<vmem>>) offsets(%dma_start3A_941 : memref<128xi32, #tpu.memory_space<vmem>>) semaphore(%arg8 : memref<!tpu.dma_semaphore, #tpu.memory_space<semaphore_mem>>)
      %dma_start3A_945 = arith.constant 0 : i32
      %dma_start3A_946 = arith.constant 128 : i32
      %dma_start3A_947 = arith.constant 0 : i32
      %dma_start3A_948 = tpu.memref_slice %arg7[%dma_start3A_946, %dma_start3A_945, %dma_start3A_947] : memref<512x1x32xf32, #tpu.memory_space<vmem>> -> memref<128x1x32xf32, #tpu.memory_space<vmem>>
      %dma_start3A_949 = tpu.memref_squeeze %dma_start3A_948 : memref<128x1x32xf32, #tpu.memory_space<vmem>> -> memref<128x32xf32, #tpu.memory_space<vmem>>
      %dma_start3A_950 = arith.constant 128 : i32
      %dma_start3A_951 = tpu.memref_slice %arg6[%dma_start3A_950] : memref<512xi32, #tpu.memory_space<vmem>> -> memref<128xi32, #tpu.memory_space<vmem>>
      %dma_start3A_952 = arith.constant 0 : i32
      %dma_start3A_953 = arith.constant 0 : i32
      %dma_start3A_954 = tpu.memref_slice %arg3[%dma_start3A_952, %dma_start3A_953] : memref<2600960x32xf32, #tpu.memory_space<hbm>> -> memref<2600960x32xf32, #tpu.memory_space<hbm>>
      tpu.enqueue_indirect_dma source(%dma_start3A_954 : memref<2600960x32xf32, #tpu.memory_space<hbm>>) target(%dma_start3A_949 : memref<128x32xf32, #tpu.memory_space<vmem>>) offsets(%dma_start3A_951 : memref<128xi32, #tpu.memory_space<vmem>>) semaphore(%arg8 : memref<!tpu.dma_semaphore, #tpu.memory_space<semaphore_mem>>)
      %dma_start3A_955 = arith.constant 0 : i32
      %dma_start3A_956 = arith.constant 256 : i32
      %dma_start3A_957 = arith.constant 0 : i32
      %dma_start3A_958 = tpu.memref_slice %arg7[%dma_start3A_956, %dma_start3A_955, %dma_start3A_957] : memref<512x1x32xf32, #tpu.memory_space<vmem>> -> memref<128x1x32xf32, #tpu.memory_space<vmem>>
      %dma_start3A_959 = tpu.memref_squeeze %dma_start3A_958 : memref<128x1x32xf32, #tpu.memory_space<vmem>> -> memref<128x32xf32, #tpu.memory_space<vmem>>
      %dma_start3A_960 = arith.constant 256 : i32
      %dma_start3A_961 = tpu.memref_slice %arg6[%dma_start3A_960] : memref<512xi32, #tpu.memory_space<vmem>> -> memref<128xi32, #tpu.memory_space<vmem>>
      %dma_start3A_962 = arith.constant 0 : i32
      %dma_start3A_963 = arith.constant 0 : i32
      %dma_start3A_964 = tpu.memref_slice %arg3[%dma_start3A_962, %dma_start3A_963] : memref<2600960x32xf32, #tpu.memory_space<hbm>> -> memref<2600960x32xf32, #tpu.memory_space<hbm>>
      tpu.enqueue_indirect_dma source(%dma_start3A_964 : memref<2600960x32xf32, #tpu.memory_space<hbm>>) target(%dma_start3A_959 : memref<128x32xf32, #tpu.memory_space<vmem>>) offsets(%dma_start3A_961 : memref<128xi32, #tpu.memory_space<vmem>>) semaphore(%arg8 : memref<!tpu.dma_semaphore, #tpu.memory_space<semaphore_mem>>)
      %dma_start3A_965 = arith.constant 0 : i32
      %dma_start3A_966 = arith.constant 384 : i32
      %dma_start3A_967 = arith.constant 0 : i32
      %dma_start3A_968 = tpu.memref_slice %arg7[%dma_start3A_966, %dma_start3A_965, %dma_start3A_967] : memref<512x1x32xf32, #tpu.memory_space<vmem>> -> memref<128x1x32xf32, #tpu.memory_space<vmem>>
      %dma_start3A_969 = tpu.memref_squeeze %dma_start3A_968 : memref<128x1x32xf32, #tpu.memory_space<vmem>> -> memref<128x32xf32, #tpu.memory_space<vmem>>
      %dma_start3A_970 = arith.constant 384 : i32
      %dma_start3A_971 = tpu.memref_slice %arg6[%dma_start3A_970] : memref<512xi32, #tpu.memory_space<vmem>> -> memref<128xi32, #tpu.memory_space<vmem>>
      %dma_start3A_972 = arith.constant 0 : i32
      %dma_start3A_973 = arith.constant 0 : i32
      %dma_start3A_974 = tpu.memref_slice %arg3[%dma_start3A_972, %dma_start3A_973] : memref<2600960x32xf32, #tpu.memory_space<hbm>> -> memref<2600960x32xf32, #tpu.memory_space<hbm>>
      tpu.enqueue_indirect_dma source(%dma_start3A_974 : memref<2600960x32xf32, #tpu.memory_space<hbm>>) target(%dma_start3A_969 : memref<128x32xf32, #tpu.memory_space<vmem>>) offsets(%dma_start3A_971 : memref<128xi32, #tpu.memory_space<vmem>>) semaphore(%arg8 : memref<!tpu.dma_semaphore, #tpu.memory_space<semaphore_mem>>)
      %dma_wait3A = arith.constant 0 : i32
      %dma_wait3A_975 = arith.constant 0 : i32
      %dma_wait3A_976 = arith.constant 0 : i32
      %dma_wait3A_977 = tpu.memref_slice %arg7[%dma_wait3A_975, %dma_wait3A, %dma_wait3A_976] : memref<512x1x32xf32, #tpu.memory_space<vmem>> -> memref<128x1x32xf32, #tpu.memory_space<vmem>>
      %dma_wait3A_978 = tpu.memref_squeeze %dma_wait3A_977 : memref<128x1x32xf32, #tpu.memory_space<vmem>> -> memref<128x32xf32, #tpu.memory_space<vmem>>
      %dma_wait3A_979 = arith.constant 0 : i32
      %dma_wait3A_980 = tpu.memref_slice %arg6[%dma_wait3A_979] : memref<512xi32, #tpu.memory_space<vmem>> -> memref<128xi32, #tpu.memory_space<vmem>>
      %dma_wait3A_981 = arith.constant 0 : i32
      %dma_wait3A_982 = arith.constant 0 : i32
      %dma_wait3A_983 = tpu.memref_slice %arg3[%dma_wait3A_981, %dma_wait3A_982] : memref<2600960x32xf32, #tpu.memory_space<hbm>> -> memref<2600960x32xf32, #tpu.memory_space<hbm>>
      tpu.wait_indirect_dma semaphore(%arg8 : memref<!tpu.dma_semaphore, #tpu.memory_space<semaphore_mem>>) src(%dma_wait3A_983 : memref<2600960x32xf32, #tpu.memory_space<hbm>>) dst(%dma_wait3A_978 : memref<128x32xf32, #tpu.memory_space<vmem>>)
      %dma_wait3A_984 = arith.constant 0 : i32
      %dma_wait3A_985 = arith.constant 128 : i32
      %dma_wait3A_986 = arith.constant 0 : i32
      %dma_wait3A_987 = tpu.memref_slice %arg7[%dma_wait3A_985, %dma_wait3A_984, %dma_wait3A_986] : memref<512x1x32xf32, #tpu.memory_space<vmem>> -> memref<128x1x32xf32, #tpu.memory_space<vmem>>
      %dma_wait3A_988 = tpu.memref_squeeze %dma_wait3A_987 : memref<128x1x32xf32, #tpu.memory_space<vmem>> -> memref<128x32xf32, #tpu.memory_space<vmem>>
      %dma_wait3A_989 = arith.constant 128 : i32
      %dma_wait3A_990 = tpu.memref_slice %arg6[%dma_wait3A_989] : memref<512xi32, #tpu.memory_space<vmem>> -> memref<128xi32, #tpu.memory_space<vmem>>
      %dma_wait3A_991 = arith.constant 0 : i32
      %dma_wait3A_992 = arith.constant 0 : i32
      %dma_wait3A_993 = tpu.memref_slice %arg3[%dma_wait3A_991, %dma_wait3A_992] : memref<2600960x32xf32, #tpu.memory_space<hbm>> -> memref<2600960x32xf32, #tpu.memory_space<hbm>>
      tpu.wait_indirect_dma semaphore(%arg8 : memref<!tpu.dma_semaphore, #tpu.memory_space<semaphore_mem>>) src(%dma_wait3A_993 : memref<2600960x32xf32, #tpu.memory_space<hbm>>) dst(%dma_wait3A_988 : memref<128x32xf32, #tpu.memory_space<vmem>>)
      %dma_wait3A_994 = arith.constant 0 : i32
      %dma_wait3A_995 = arith.constant 256 : i32
      %dma_wait3A_996 = arith.constant 0 : i32
      %dma_wait3A_997 = tpu.memref_slice %arg7[%dma_wait3A_995, %dma_wait3A_994, %dma_wait3A_996] : memref<512x1x32xf32, #tpu.memory_space<vmem>> -> memref<128x1x32xf32, #tpu.memory_space<vmem>>
      %dma_wait3A_998 = tpu.memref_squeeze %dma_wait3A_997 : memref<128x1x32xf32, #tpu.memory_space<vmem>> -> memref<128x32xf32, #tpu.memory_space<vmem>>
      %dma_wait3A_999 = arith.constant 256 : i32
      %dma_wait3A_1000 = tpu.memref_slice %arg6[%dma_wait3A_999] : memref<512xi32, #tpu.memory_space<vmem>> -> memref<128xi32, #tpu.memory_space<vmem>>
      %dma_wait3A_1001 = arith.constant 0 : i32
      %dma_wait3A_1002 = arith.constant 0 : i32
      %dma_wait3A_1003 = tpu.memref_slice %arg3[%dma_wait3A_1001, %dma_wait3A_1002] : memref<2600960x32xf32, #tpu.memory_space<hbm>> -> memref<2600960x32xf32, #tpu.memory_space<hbm>>
      tpu.wait_indirect_dma semaphore(%arg8 : memref<!tpu.dma_semaphore, #tpu.memory_space<semaphore_mem>>) src(%dma_wait3A_1003 : memref<2600960x32xf32, #tpu.memory_space<hbm>>) dst(%dma_wait3A_998 : memref<128x32xf32, #tpu.memory_space<vmem>>)
      %dma_wait3A_1004 = arith.constant 0 : i32
      %dma_wait3A_1005 = arith.constant 384 : i32
      %dma_wait3A_1006 = arith.constant 0 : i32
      %dma_wait3A_1007 = tpu.memref_slice %arg7[%dma_wait3A_1005, %dma_wait3A_1004, %dma_wait3A_1006] : memref<512x1x32xf32, #tpu.memory_space<vmem>> -> memref<128x1x32xf32, #tpu.memory_space<vmem>>
      %dma_wait3A_1008 = tpu.memref_squeeze %dma_wait3A_1007 : memref<128x1x32xf32, #tpu.memory_space<vmem>> -> memref<128x32xf32, #tpu.memory_space<vmem>>
      %dma_wait3A_1009 = arith.constant 384 : i32
      %dma_wait3A_1010 = tpu.memref_slice %arg6[%dma_wait3A_1009] : memref<512xi32, #tpu.memory_space<vmem>> -> memref<128xi32, #tpu.memory_space<vmem>>
      %dma_wait3A_1011 = arith.constant 0 : i32
      %dma_wait3A_1012 = arith.constant 0 : i32
      %dma_wait3A_1013 = tpu.memref_slice %arg3[%dma_wait3A_1011, %dma_wait3A_1012] : memref<2600960x32xf32, #tpu.memory_space<hbm>> -> memref<2600960x32xf32, #tpu.memory_space<hbm>>
      tpu.wait_indirect_dma semaphore(%arg8 : memref<!tpu.dma_semaphore, #tpu.memory_space<semaphore_mem>>) src(%dma_wait3A_1013 : memref<2600960x32xf32, #tpu.memory_space<hbm>>) dst(%dma_wait3A_1008 : memref<128x32xf32, #tpu.memory_space<vmem>>)
      "tpu.region"() ({
        %run_scoped3A = tpu.sem_alloc : memref<!tpu.dma_semaphore, #tpu.memory_space<semaphore_mem>>
        %dma_start3A_1014 = arith.constant 0 : i32
        %dma_start3A_1015 = tpu.memref_slice %arg4[%mul3A_2, %scan3A_8, %dma_start3A_1014] : memref<16384x26x32xf32, #tpu.memory_space<hbm>> -> memref<512x1x32xf32, #tpu.memory_space<hbm>>
        %dma_start3A_1016 = arith.constant 0 : i32
        %dma_start3A_1017 = tpu.memref_slice %arg4[%mul3A_2, %scan3A_8, %dma_start3A_1016] : memref<16384x26x32xf32, #tpu.memory_space<hbm>> -> memref<512x1x32xf32, #tpu.memory_space<hbm>>
        tpu.enqueue_dma source(%arg7 : memref<512x1x32xf32, #tpu.memory_space<vmem>>) target(%dma_start3A_1017 : memref<512x1x32xf32, #tpu.memory_space<hbm>>) target_semaphore(%run_scoped3A : memref<!tpu.dma_semaphore, #tpu.memory_space<semaphore_mem>>)
        %dma_wait3A_1018 = arith.constant 0 : i32
        %dma_wait3A_1019 = tpu.memref_slice %arg4[%mul3A_2, %scan3A_8, %dma_wait3A_1018] : memref<16384x26x32xf32, #tpu.memory_space<hbm>> -> memref<512x1x32xf32, #tpu.memory_space<hbm>>
        %dma_wait3A_1020 = arith.constant 0 : i32
        %dma_wait3A_1021 = tpu.memref_slice %arg4[%mul3A_2, %scan3A_8, %dma_wait3A_1020] : memref<16384x26x32xf32, #tpu.memory_space<hbm>> -> memref<512x1x32xf32, #tpu.memory_space<hbm>>
        tpu.wait_dma2 semaphore(%run_scoped3A : memref<!tpu.dma_semaphore, #tpu.memory_space<semaphore_mem>>) src(%arg7 : memref<512x1x32xf32, #tpu.memory_space<vmem>>) dst(%dma_wait3A_1021 : memref<512x1x32xf32, #tpu.memory_space<hbm>>)
        tpu.yield
      }) : () -> ()
    }
    %scan3A_7 = arith.constant 26 : i32
    return
  }
}

module attributes {stable_mosaic.version = 14 : i64} {
  func.func @body(%arg0: i32, %arg1: memref<32x1024xf32, #tpu.memory_space<vmem>>, %arg2: memref<32x1024xf32, #tpu.memory_space<vmem>>, %arg3: memref<32x1024xf32, #tpu.memory_space<vmem>>, %arg4: memref<32x1024xf32, #tpu.memory_space<vmem>>, %arg5: memref<32x128xf32, #tpu.memory_space<vmem>>, %arg6: memref<32x128xf32, #tpu.memory_space<vmem>>, %arg7: memref<32x128xf32, #tpu.memory_space<vmem>>, %arg8: memref<32x128xf32, #tpu.memory_space<vmem>>, %arg9: memref<1024x128xf32, #tpu.memory_space<vmem>>) attributes {dimension_semantics = [#tpu.dimension_semantics<arbitrary>], iteration_bounds = array<i64: 635>, scalar_prefetch = 0 : i64, scratch_operands = 0 : i64, tpu.core_type = #tpu.core_type<tc>, window_params = [{transform_indices = @transform_0, window_bounds = array<i64: 32, 1024>}, {transform_indices = @transform_1, window_bounds = array<i64: 32, 1024>}, {transform_indices = @transform_2, window_bounds = array<i64: 32, 1024>}, {transform_indices = @transform_3, window_bounds = array<i64: 32, 1024>}, {pipeline_mode = #tpu.pipeline_mode<synchronous>, transform_indices = @transform_4, window_bounds = array<i64: 32, 128>}, {pipeline_mode = #tpu.pipeline_mode<synchronous>, transform_indices = @transform_5, window_bounds = array<i64: 32, 128>}, {pipeline_mode = #tpu.pipeline_mode<synchronous>, transform_indices = @transform_6, window_bounds = array<i64: 32, 128>}, {pipeline_mode = #tpu.pipeline_mode<synchronous>, transform_indices = @transform_7, window_bounds = array<i64: 32, 128>}, {transform_indices = @transform_8, window_bounds = array<i64: 1024, 128>}]} {
    %get3A = arith.constant 0 : index
    %get3A_0 = arith.constant 0 : index
    %get3A_1 = vector.load %arg1[%get3A, %get3A_0] : memref<32x1024xf32, #tpu.memory_space<vmem>>, vector<32x1024xf32>
    %get3A_2 = arith.constant 0 : index
    %get3A_3 = arith.constant 0 : index
    %get3A_4 = vector.load %arg5[%get3A_2, %get3A_3] : memref<32x128xf32, #tpu.memory_space<vmem>>, vector<32x128xf32>
    %dot_general3A = arith.constant dense<0.000000e+00> : vector<1024x128xf32>
    %dot_general3A_5 = tpu.matmul %get3A_1, %get3A_4, %dot_general3A {dimension_numbers = #tpu.dot_dimension_numbers<[0], [0], [1], [1], [0, 1, 1, 1], [], []>, precision = #tpu.contract_precision<fp32>, transpose_lhs_hint = false} : vector<32x1024xf32>, vector<32x128xf32>, vector<1024x128xf32> -> vector<1024x128xf32>
    %get3A_6 = arith.constant 0 : index
    %get3A_7 = arith.constant 0 : index
    %get3A_8 = vector.load %arg2[%get3A_6, %get3A_7] : memref<32x1024xf32, #tpu.memory_space<vmem>>, vector<32x1024xf32>
    %get3A_9 = arith.constant 0 : index
    %get3A_10 = arith.constant 0 : index
    %get3A_11 = vector.load %arg6[%get3A_9, %get3A_10] : memref<32x128xf32, #tpu.memory_space<vmem>>, vector<32x128xf32>
    %dot_general3A_12 = arith.constant dense<0.000000e+00> : vector<1024x128xf32>
    %dot_general3A_13 = tpu.matmul %get3A_8, %get3A_11, %dot_general3A_12 {dimension_numbers = #tpu.dot_dimension_numbers<[0], [0], [1], [1], [0, 1, 1, 1], [], []>, precision = #tpu.contract_precision<fp32>, transpose_lhs_hint = false} : vector<32x1024xf32>, vector<32x128xf32>, vector<1024x128xf32> -> vector<1024x128xf32>
    %add3A = arith.addf %dot_general3A_5, %dot_general3A_13 : vector<1024x128xf32>
    %get3A_14 = arith.constant 0 : index
    %get3A_15 = arith.constant 0 : index
    %get3A_16 = vector.load %arg3[%get3A_14, %get3A_15] : memref<32x1024xf32, #tpu.memory_space<vmem>>, vector<32x1024xf32>
    %get3A_17 = arith.constant 0 : index
    %get3A_18 = arith.constant 0 : index
    %get3A_19 = vector.load %arg7[%get3A_17, %get3A_18] : memref<32x128xf32, #tpu.memory_space<vmem>>, vector<32x128xf32>
    %dot_general3A_20 = arith.constant dense<0.000000e+00> : vector<1024x128xf32>
    %dot_general3A_21 = tpu.matmul %get3A_16, %get3A_19, %dot_general3A_20 {dimension_numbers = #tpu.dot_dimension_numbers<[0], [0], [1], [1], [0, 1, 1, 1], [], []>, precision = #tpu.contract_precision<fp32>, transpose_lhs_hint = false} : vector<32x1024xf32>, vector<32x128xf32>, vector<1024x128xf32> -> vector<1024x128xf32>
    %add3A_22 = arith.addf %add3A, %dot_general3A_21 : vector<1024x128xf32>
    %get3A_23 = arith.constant 0 : index
    %get3A_24 = arith.constant 0 : index
    %get3A_25 = vector.load %arg4[%get3A_23, %get3A_24] : memref<32x1024xf32, #tpu.memory_space<vmem>>, vector<32x1024xf32>
    %get3A_26 = arith.constant 0 : index
    %get3A_27 = arith.constant 0 : index
    %get3A_28 = vector.load %arg8[%get3A_26, %get3A_27] : memref<32x128xf32, #tpu.memory_space<vmem>>, vector<32x128xf32>
    %dot_general3A_29 = arith.constant dense<0.000000e+00> : vector<1024x128xf32>
    %dot_general3A_30 = tpu.matmul %get3A_25, %get3A_28, %dot_general3A_29 {dimension_numbers = #tpu.dot_dimension_numbers<[0], [0], [1], [1], [0, 1, 1, 1], [], []>, precision = #tpu.contract_precision<fp32>, transpose_lhs_hint = false} : vector<32x1024xf32>, vector<32x128xf32>, vector<1024x128xf32> -> vector<1024x128xf32>
    %add3A_31 = arith.addf %add3A_22, %dot_general3A_30 : vector<1024x128xf32>
    %swap3A = arith.constant 0 : index
    %swap3A_32 = arith.constant 0 : index
    %swap3A_33 = vector.load %arg9[%swap3A, %swap3A_32] : memref<1024x128xf32, #tpu.memory_space<vmem>>, vector<1024x128xf32>
    tpu.vector_store %arg9[%swap3A, %swap3A_32], %add3A_31 {strides = array<i32>} : memref<1024x128xf32, #tpu.memory_space<vmem>>, vector<1024x128xf32>,
    return
  }
  func.func @transform_0(%arg0: i32) -> (i32, i32) {
    %mul3A = arith.constant 4 : i32
    %mul3A_0 = arith.muli %mul3A, %arg0 : i32
    %add3A = arith.constant 0 : i32
    %add3A_1 = arith.addi %mul3A_0, %add3A : i32
    %c0_i32 = arith.constant 0 : i32
    %c0_i32_2 = arith.constant 0 : i32
    return %c0_i32, %add3A_1 : i32, i32
  }
  func.func @transform_1(%arg0: i32) -> (i32, i32) {
    %mul3A = arith.constant 4 : i32
    %mul3A_0 = arith.muli %mul3A, %arg0 : i32
    %add3A = arith.constant 1 : i32
    %add3A_1 = arith.addi %mul3A_0, %add3A : i32
    %c0_i32 = arith.constant 0 : i32
    %c0_i32_2 = arith.constant 0 : i32
    return %c0_i32, %add3A_1 : i32, i32
  }
  func.func @transform_2(%arg0: i32) -> (i32, i32) {
    %mul3A = arith.constant 4 : i32
    %mul3A_0 = arith.muli %mul3A, %arg0 : i32
    %add3A = arith.constant 2 : i32
    %add3A_1 = arith.addi %mul3A_0, %add3A : i32
    %c0_i32 = arith.constant 0 : i32
    %c0_i32_2 = arith.constant 0 : i32
    return %c0_i32, %add3A_1 : i32, i32
  }
  func.func @transform_3(%arg0: i32) -> (i32, i32) {
    %mul3A = arith.constant 4 : i32
    %mul3A_0 = arith.muli %mul3A, %arg0 : i32
    %add3A = arith.constant 3 : i32
    %add3A_1 = arith.addi %mul3A_0, %add3A : i32
    %c0_i32 = arith.constant 0 : i32
    %c0_i32_2 = arith.constant 0 : i32
    return %c0_i32, %add3A_1 : i32, i32
  }
  func.func @transform_4(%arg0: i32) -> (i32, i32) {
    %c0_i32 = arith.constant 0 : i32
    %c0_i32_0 = arith.constant 0 : i32
    %c0_i32_1 = arith.constant 0 : i32
    return %c0_i32, %c0_i32_0 : i32, i32
  }
  func.func @transform_5(%arg0: i32) -> (i32, i32) {
    %c0_i32 = arith.constant 0 : i32
    %c0_i32_0 = arith.constant 0 : i32
    %c0_i32_1 = arith.constant 0 : i32
    return %c0_i32, %c0_i32_0 : i32, i32
  }
  func.func @transform_6(%arg0: i32) -> (i32, i32) {
    %c0_i32 = arith.constant 0 : i32
    %c0_i32_0 = arith.constant 0 : i32
    %c0_i32_1 = arith.constant 0 : i32
    return %c0_i32, %c0_i32_0 : i32, i32
  }
  func.func @transform_7(%arg0: i32) -> (i32, i32) {
    %c0_i32 = arith.constant 0 : i32
    %c0_i32_0 = arith.constant 0 : i32
    %c0_i32_1 = arith.constant 0 : i32
    return %c0_i32, %c0_i32_0 : i32, i32
  }
  func.func @transform_8(%arg0: i32) -> (i32, i32) {
    %c0_i32 = arith.constant 0 : i32
    %c0_i32_0 = arith.constant 0 : i32
    return %arg0, %c0_i32 : i32, i32
  }
}

</mosaic_0001>

<sc_bundles>
// kernel: kernel.4.cloned.1.call-start
scs
__scs_entry_jumppad:
0x0: {  	(pc) =	sbr.rel $0x88, $3  }
0x1: {  	(tag) =	ssettag $0x0;
	lr =	simm.s32 $0x1  }
0x2: {  	[smem:$0x3F9F] =	sst lr;
	_ =	strace $0xD0000000  }
0x3: {  	_ = 	snop  }
0x4: {  	_ = 	snop  }
0x5: {  	_ = 	snop  }
0x6: {  	_ = 	snop  }
0x7: {  	_ = 	snop  }
__scs_overlays_trampoline_lowered:
0x8: {  	[smem:$0x3FAE] =	sst s0  }
0x9: {  	[smem:$0x3FAF] =	sst s1  }
0xa: {  	[smem:$0x3FB0] =	sst s2  }
0xb: {  	[smem:$0x3FB1] =	sst s3  }
0xc: {  	[smem:$0x3FB2] =	sst s4  }
0xd: {  	[smem:$0x3FB3] =	sst s5  }
0xe: {  	[smem:$0x3FB4] =	sst s6  }
0xf: {  	[smem:$0x3FB5] =	sst s7  }
0x10: {  	[smem:$0x3FB6] =	sst s8  }
0x11: {  	[smem:$0x3FB7] =	sst s9;
	s0 =	simm.s32 @!p0 $0x0  }
0x12: {  	s1 =	sld [smem:$0x3F9D];
	s0 =	simm.s32 @p0 $0x1  }
0x13: {  	[smem:$0x3FB8] =	sst s0;
	s0 =	simm.s32 @!p1 $0x0  }
0x14: {  	s2 =	sld [smem:$0x3F9C];
	s0 =	simm.s32 @p1 $0x1  }
0x15: {  	[smem:$0x3FB9] =	sst s0;
	s0 =	simm.s32 @!p2 $0x0  }
0x16: {  	s3 =	sld [smem:$0x3FDB];
	s0 =	simm.s32 @p2 $0x1  }
0x17: {  	s4 =	simm.s32 $0x1BF5;
	[smem:$0x3FBB] =	sst s0  }
0x18: {  	s0 =	sld [smem:$0x3F9E];
	_ =	swait.ge [sflag:s4], $0x0  }
0x19: {  	s7 =	sld [smem:$0x3F9F]  }
0x1a: {  	s8 =	sadd.s32 $0xFFFFE003, lr  }
0x1b: {  	s9 =	sadd.s32 $0xFFFFFEF7, lr;
	s5 =	simm.s32 $0xFFFFFFFF;
	p2 =	slt.u32 s8, $0xFFFFF086  }
0x1c: {  	p1 =	slt.u32 s9, $0xF7A;
	s5 =	simm.s32 @!p2 $0x0  }
0x1d: {  	s5 =	simm.s32 @p1 $0x1;
	p0 =	seq.s32 s7, s2  }
0x1e: {  	s7 =	smul.u32 @!p0 $0xF7A, s2;
	p2 =	seq.s32 @!p0 s5, $0x0  }
0x1f: {  	s9 =	smul.u32 $0xF7A, s1;
	s8 =	simm.s32 @!p0 $0x1BF5;
	p2 =	por !p2, p0  }
0x20: {  	[sflag:s8] =	ssyncset.s32 @!p0 $0xFFFFF086;
	s6 =	sadd.s32 @!p0 s3, s7;
	s7 =	simm.s32 @!p0 $0x108  }
0x21: {  	s3 =	sadd.s32 s3, s9;
	s6 =	sadd.s32 @!p0 $0x88, s6;
	s7 =	simm.s32 @p2 $0x1082  }
0x22: {  	[simem:s7], [sflag:s8] =	dma.local @!p0 [hbm:s6], $0xF7A  }
0x23: {  	s9 =	sor.u32 $0xD0000000, s2;
	s6 =	simm.s32 $0x108;
	_ =	swait.ge @!p0 [sflag:s8], $0x0  }
0x24: {  	s3 =	sadd.s32 $0x88, s3;
	s6 =	simm.s32 @!p1 $0x1082;
	[sflag:s4] =	ssyncset.s32 $0xFFFFF086  }
0x25: {  	[simem:s6], [sflag:s4] =	dma.local [hbm:s3], $0xF7A  }
0x26: {  	[smem:$0x3F9F] =	sst s1;
	(tag) =	ssettag s2;
	_ =	strace s9  }
0x27: {  	s1 =	sld [smem:$0x3FAF]  }
0x28: {  	s2 =	sld [smem:$0x3FB0]  }
0x29: {  	s4 =	sld [smem:$0x3FB2]  }
0x2a: {  	p0 =	seq.s32 s5, $0x0;
	s5 =	sld [smem:$0x3FB3]  }
0x2b: {  	s6 =	sld [smem:$0x3FB4]  }
0x2c: {  	s7 =	sld [smem:$0x3FB5]  }
0x2d: {  	s3 =	simm.s32 $0x108;
	s8 =	sld [smem:$0x3FB6]  }
0x2e: {  	s3 =	simm.s32 @!p0 $0x1082;
	s9 =	sld [smem:$0x3FB7]  }
0x2f: {  	lr =	sadd.s32 s0, s3;
	s0 =	sld [smem:$0x3FAE]  }
0x30: {  	s3 =	sld [smem:$0x3FB1]  }
0x31: {  	[smem:$0x3FBA] =	sst s10  }
0x32: {  	s10 =	sld [smem:$0x3FB8];
	_ =	sdelay $0x3  }
0x33: {  	p0 =	seq.s32 s10, $0x1;
	s10 =	sld [smem:$0x3FBA];
	_ =	sdelay $0x3  }
0x34: {  	[smem:$0x3FBA] =	sst s10  }
0x35: {  	s10 =	sld [smem:$0x3FB9];
	_ =	sdelay $0x3  }
0x36: {  	p1 =	seq.s32 s10, $0x1;
	s10 =	sld [smem:$0x3FBA];
	_ =	sdelay $0x3  }
0x37: {  	[smem:$0x3FBA] =	sst s10  }
0x38: {  	s10 =	sld [smem:$0x3FBB]  }
0x39: {  	_ = 	snop;
	(pc) =	sbr.ind lr, $3  }
0x3a: {  	_ = 	snop  }
0x3b: {  	_ = 	snop  }
0x3c: {  	p2 =	seq.s32 s10, $0x1;
	s10 =	sld [smem:$0x3FBA]  }
0x3d: {  	_ =	shalt  }
0x3e: {  	_ =	shalt  }
0x3f: {  	_ =	shalt  }
0x40: {  	_ =	shalt  }
0x41: {  	_ =	shalt  }
0x42: {  	_ =	shalt  }
0x43: {  	_ =	shalt  }
0x44: {  	_ =	shalt  }
0x45: {  	_ =	shalt  }
0x46: {  	_ =	shalt  }
0x47: {  	_ =	shalt  }
0x48: {  	_ =	shalt  }
0x49: {  	_ =	shalt  }
0x4a: {  	_ =	shalt  }
0x4b: {  	_ =	shalt  }
0x4c: {  	_ =	shalt  }
0x4d: {  	_ =	shalt  }
0x4e: {  	_ =	shalt  }
0x4f: {  	_ =	shalt  }
0x50: {  	_ =	shalt  }
0x51: {  	_ =	shalt  }
0x52: {  	_ =	shalt  }
0x53: {  	_ =	shalt  }
0x54: {  	_ =	shalt  }
0x55: {  	_ =	shalt  }
0x56: {  	_ =	shalt  }
0x57: {  	_ =	shalt  }
0x58: {  	_ =	shalt  }
0x59: {  	_ =	shalt  }
0x5a: {  	_ =	shalt  }
0x5b: {  	_ =	shalt  }
0x5c: {  	_ =	shalt  }
0x5d: {  	_ =	shalt  }
0x5e: {  	_ =	shalt  }
0x5f: {  	_ =	shalt  }
0x60: {  	_ =	shalt  }
0x61: {  	_ =	shalt  }
0x62: {  	_ =	shalt  }
0x63: {  	_ =	shalt  }
0x64: {  	_ =	shalt  }
0x65: {  	_ =	shalt  }
0x66: {  	_ =	shalt  }
0x67: {  	_ =	shalt  }
0x68: {  	_ =	shalt  }
0x69: {  	_ =	shalt  }
0x6a: {  	_ =	shalt  }
0x6b: {  	_ =	shalt  }
0x6c: {  	_ =	shalt  }
0x6d: {  	_ =	shalt  }
0x6e: {  	_ =	shalt  }
0x6f: {  	_ =	shalt  }
0x70: {  	_ =	shalt  }
0x71: {  	_ =	shalt  }
0x72: {  	_ =	shalt  }
0x73: {  	_ =	shalt  }
0x74: {  	_ =	shalt  }
0x75: {  	_ =	shalt  }
0x76: {  	_ =	shalt  }
0x77: {  	_ =	shalt  }
0x78: {  	_ =	shalt  }
0x79: {  	_ =	shalt  }
0x7a: {  	_ =	shalt  }
0x7b: {  	_ =	shalt  }
0x7c: {  	_ =	shalt  }
0x7d: {  	_ =	shalt  }
0x7e: {  	_ =	shalt  }
0x7f: {  	_ =	shalt  }
0x80: {  	_ =	shalt  }
0x81: {  	_ =	shalt  }
0x82: {  	_ =	shalt  }
0x83: {  	_ =	shalt  }
0x84: {  	_ =	shalt  }
0x85: {  	_ =	shalt  }
0x86: {  	_ =	shalt  }
0x87: {  	_ =	shalt  }
.Lfunc_end0:
.L_simem_size_0:
called_computation.1_lowered:
.L_overlay_start_0:
0x88: {  	s2 =	sld [smem:$0x3FD9]  }
0x89: {  	s3 =	sld [smem:$0x3FFE];
	_ =	sdelay $0x1  }
0x8a: {  	s1 =	srdreg.scid  }
0x8b: {  	s0 =	sand.u32 $0x1, s1  }
0x8c: {  	s17 =	sshll.u32 s0, $0xA;
	s2 =	sadd.s32 s3, s2  }
0x8d: {  	s2 =	sadd.s32 s2, s17  }
0x8e: {  	[smem:$0x3FC6] =	sst s2  }
0x8f: {  	_ = 	snop  }
0x90: {  	s2 =	sld [smem:$0x3FD0];
	(tm) =	ssettm $0x1  }
0x91: {  	s18 =	sld [smem:$0x3FFB];
	_ =	sdelay $0x3  }
0x92: {  	_ =	strace s18  }
0x93: {  	s3 =	sld [smem:$0x3FFC];
	_ =	sdelay $0x3  }
0x94: {  	_ =	strace s3  }
0x95: {  	s3 =	sld [smem:$0x3FFD];
	_ =	sdelay $0x3  }
0x96: {  	_ =	strace s3  }
0x97: {  	_ =	strace $0x8FFFFFFF  }
0x98: {  	s19 =	sld [smem:$0x3FDB];
	_ =	sdelay $0x1  }
0x99: {  	s4 =	simm.s32 $_scs_section_size  }
0x9a: {  	s5 =	simm.s32 $_size__tile_overlayer_lowered;
	s6 =	simm.s32 $_tile_overlayer_lowered  }
0x9b: {  	s22 =	simm.s32 $0x1BFF;
	s21 =	sshll.u32 s6, $0x1;
	s3 =	sadd.s32 s4, s19  }
0x9c: {  	s7 =	simm.s32 $0x0;
	s20 =	sshll.u32 s5, $0x1;
	s5 =	sadd.s32 s21, s3  }
0x9d: {  	[timem:s7], [sflag:s22] =	dma.local [hbm:s5], s20  }
0x9e: {  	_ =	swait.ge [sflag:s22], s20  }
0x9f: {  	s4 =	ssub.s32 $0x0, s20;
	[sflag:s22] =	ssyncset.done $0x0  }
0xa0: {  	[sflag:s22] =	ssyncadd.s32 s4;
	_ =	sdelay $0x1  }
0xa1: {  	s23 =	simm.s32 $0x1B8B  }
0xa2: {  	_ =	swait.ge [sflag:s23], $0x1  }
0xa3: {  	[sflag:s23] =	ssyncset.done $0x0  }
0xa4: {  	s25 =	simm.s32 $0x1B8E;
	s24 =	sld [smem:$0x3FFE];
	[sflag:s23] =	ssyncadd.s32 $0xFFFFFFFF  }
0xa5: {  	s26 =	simm.s32 $execute0_lowered;
	[smem:$0x3FD2] =	sst s25  }
0xa6: {  	s5 =	sshll.u32 s26, $0x1;
	_ =	strace $0x80000046;
	[dreg:$0x1] =	wrdreg $0xFFFFFFFF  }
0xa7: {  	s28 =	simm.s32 $_size_execute0_lowered;
	s3 =	sadd.s32 s3, s5;
	[dreg:$0x0] =	wrdreg $0x0  }
0xa8: {  	s5 =	sshll.u32 s28, $0x1;
	[dreg:$0x2] =	wrdreg s3  }
0xa9: {  	[dreg:$0x3] =	wrdreg s5  }
0xaa: {  	[dreg:$0x4] =	wrdreg $0xC0  }
0xab: {  	_ =	task [dreg:s7], $0x5FFFF  }
0xac: {  	[dreg:$0x1] =	wrdreg $0xFFFFFFFF  }
0xad: {  	[dreg:$0x0] =	wrdreg $0x60  }
0xae: {  	[dreg:$0x2] =	wrdreg s24  }
0xaf: {  	[dreg:$0x3] =	wrdreg s2  }
0xb0: {  	[dreg:$0x4] =	wrdreg $0x9  }
0xb1: {  	_ =	task.clear_ibuf [dreg:s7], $0x5FFFF;
	_ =	strace $0x90000046  }
0xb2: {  	s29 =	simm.s32 $0x9;
	_ =	strace $0x80000048  }
0xb3: {  	_ =	swait.ge [sflag:s29], $0x1  }
0xb4: {  	[sflag:s29] =	ssyncadd.s32 $0xFFFFFFFF  }
0xb5: {  	_ =	strace $0x90000048  }
0xb6: {  	_ =	sfence  }
0xb7: {  	s30 =	sld [smem:$0x0];
	_ =	sdelay $0x2  }
0xb8: {  	s31 =	sshll.u32 s1, $0xD;
	s1 =	sshrl.u32 s1, $0x2  }
0xb9: {  	s3 =	sand.u32 $0x4000, s31;
	s1 =	sadd.s32 s1, s30  }
0xba: {  	s0 =	sor.u32 s3, s0;
	s1 =	sshll.u32 s1, $0x11  }
0xbb: {  	s0 =	sor.u32 s1, s0  }
0xbc: {  	s0 =	sadd.s32 $0x8F2B, s0  }
0xbd: {  	[sflag:s0] =	ssyncadd.remote.s32 $0x1  }
0xbe: {  	_ =	sfence.sel $0xFFFF  }
0xbf: {  	[dreg:$0x0] =	wrdreg $0xFFFFFFFF;
	(pc) =	sbr.abs _section_cstart, $3  }
0xc0: {  	[dreg:$0x1] =	wrdreg $0xFFFFFFFF  }
0xc1: {  	_ =	task.clear_ibuf [dreg:s7], $0x2FFFF;
	_ =	strace $0x9FFFFFFF  }
0xc2: {  	(tm) =	ssettm $0x7FFFFFFF  }
0xc3: {  	_ =	shalt  }
tec
execute0_lowered:
.L_overlay_start_1:
0x0: {  	(tag) =	ssettag $0x1  }
0x1: {  	s3 =	rddreg [dreg:$0x0];
	v0 =	vlaneseq.u32  }
0x2: {  	s6 =	rddreg [dreg:$0x1];
	v0 =	vmul.u32 $0x80, v0  }
0x3: {  	s0 =	rddreg [dreg:$0x2];
	s2 =	simm.s32 $0x0;
	s4 =	srdreg.scid  }
0x4: {  	s1 =	stileid.u32;
	s10 =	simm.s32 $0x10200;
	s11 =	simm.s32 $0x10080;
	v1 =	vor.u32 $0x800, v0  }
0x5: {  	s12 =	simm.s32 $0x11200;
	s13 =	simm.s32 $0x10100;
	s14 =	simm.s32 $0x12200;
	v2 =	vor.u32 $0x1000, v0;
	v3 =	vor.u32 $0x1800, v0;
	v4 =	vor.u32 $0x2000, v0  }
0x6: {  	s15 =	simm.s32 $0x10180;
	s16 =	simm.s32 $0x13200;
	s17 =	simm.s32 $0x1;
	v5 =	vor.u32 $0x2800, v0;
	v6 =	vor.u32 $0x3000, v0;
	v7 =	vor.u32 $0x3800, v0  }
0x7: {  	s18 =	simm.s32 $0x20;
	s19 =	simm.s32 $0x340;
	s20 =	simm.s32 $0x0;
	v8 =	vor.u32 $0x4000, v0;
	v9 =	vor.u32 $0x4800, v0;
	v10 =	vor.u32 $0x5000, v0  }
0x8: {  	[smem:$0x7FF] =	sst s2;
	s4 =	sand.u32 $0x1, s4;
	s5 =	sshll.u32 s1, $0xE;
	v11 =	vor.u32 $0x5800, v0;
	v12 =	vor.u32 $0x6000, v0;
	v13 =	vor.u32 $0x6800, v0  }
0x9: {  	s8 =	smul.u32 $0xD0000, s1;
	s7 =	sshll.u32 s4, $0xD;
	s30 =	ssub.s32 $0x2, s4;
	v14 =	vor.u32 $0x7000, v0;
	v15 =	vor.u32 $0x7800, v0;
	v16 =	vor.u32 $0x8000, v0  }
0xa: {  	s4 =	smul.u32 $0x68000, s4;
	_ =	strace $0x80000047;
	s5 =	sor.u32 s7, s5;
	v17 =	vor.u32 $0x8800, v0;
	v18 =	vor.u32 $0x9000, v0;
	v19 =	vor.u32 $0x9800, v0  }
0xb: {  	s9 =	sshrl.u32 s30, $0x1;
	v20 =	vor.u32 $0xA000, v0;
	v21 =	vor.u32 $0xA800, v0;
	v22 =	vor.u32 $0xB000, v0;
	s5 =	sadd.s32 s5, s3;
	s3 =	sadd.s32 $0xA2D200, s3  }
0xc: {  	v23 =	vor.u32 $0xB800, v0;
	v24 =	vor.u32 $0xC000, v0;
	v25 =	vor.u32 $0xC800, v0;
	s7 =	ssub.s32 s30, s9;
	s8 =	sadd.s32 s4, s8;
	s9 =	simm.s32 $0x10000  }
0xd: {  	v26 =	vor.u32 $0xD000, v0;
	v27 =	vor.u32 $0xD800, v0;
	v28 =	vor.u32 $0xE000, v0;
	s4 =	sadd.s32 $0x9ED200, s5;
	s5 =	smax.u32 s7, $0x1;
	s31 =	sshrl.u32 s8, $0x3  }
0xe: {  	v29 =	vor.u32 $0xE800, v0;
	v30 =	vor.u32 $0xF000, v0;
	v31 =	vor.u32 $0xF800, v0;
	s7 =	simm.s32 $0x2;
	s8 =	simm.s32 $0x80;
	s6 =	sadd.s32 s31, s6  }
.LBB2_1:
0xf: {  	[tilespmem:s2], [sflag:$0x2] =	stream.linear.gather [hbm4b:s4+s2], $0x10000, $0x38;
	[tilespmem:$0x14200] =	vst v63  }
0x10: {  	_ =	swait.ge [sflag:s7], $0x10000  }
0x11: {  	s21 =	simm.s32 $0x0;
	[sflag:s7] =	ssyncset.done $0x0  }
0x12: {  	s22 =	smov.u32 s6;
	s23 =	simm.s32 $0x0;
	[sflag:s7] =	ssyncadd.s32 $0xFFFF0000  }
.LBB2_2:
0x13: {  	v32 =	vmov s23  }
0x14: {  	v32 =	vand.u32 $0x1F, v32  }
0x15: {  	v32 =	vbroadcast v32, $0x0;
	_ =	sdelay $0x1  }
0x16: {  	v33 =	vor.u32 v0, v32;
	_ =	sdelay $0x4  }
0x17: {  	v33 =	vld.idx.msk [tilespmem:v33+s2+$0x0], $0xffff;
	_ =	sdelay $0x4  }
0x18: {  	v33 =	vadd.s32 s21, v33  }
0x19: {  	v35 =	vor.u32 v1, v32;
	v34 =	vshll.u32 v33, $0x2  }
0x1a: {  	v36 =	vand.u32 $0xFFFFF000, v33;
	v33 =	vshrl.u32 v33, $0xA;
	v34 =	vand.u32 $0xFFC, v34  }
0x1b: {  	v33 =	vand.u32 $0x3, v33;
	v34 =	vor.u32 v36, v34  }
0x1c: {  	v33 =	vor.u32 v33, v34  }
0x1d: {  	[tilespmem:$0x10000] =	vst v33  }
0x1e: {  	v33 =	vld.idx.msk [tilespmem:v35+s2+$0x0], $0xffff;
	_ =	sdelay $0x4  }
0x1f: {  	v33 =	vadd.s32 s21, v33  }
0x20: {  	v46 =	vor.u32 v2, v32;
	v45 =	vshll.u32 v33, $0x2  }
0x21: {  	v47 =	vand.u32 $0xFFFFF000, v33;
	v33 =	vshrl.u32 v33, $0xA;
	v34 =	vand.u32 $0xFFC, v45  }
0x22: {  	v33 =	vand.u32 $0x3, v33;
	v34 =	vor.u32 v47, v34  }
0x23: {  	v33 =	vor.u32 v33, v34  }
0x24: {  	[tilespmem:$0x10010] =	vst v33  }
0x25: {  	v33 =	vld.idx.msk [tilespmem:v46+s2+$0x0], $0xffff;
	_ =	sdelay $0x4  }
0x26: {  	v33 =	vadd.s32 s21, v33  }
0x27: {  	v49 =	vor.u32 v3, v32;
	v48 =	vshll.u32 v33, $0x2  }
0x28: {  	v50 =	vand.u32 $0xFFFFF000, v33;
	v33 =	vshrl.u32 v33, $0xA;
	v34 =	vand.u32 $0xFFC, v48  }
0x29: {  	v33 =	vand.u32 $0x3, v33;
	v34 =	vor.u32 v50, v34  }
0x2a: {  	v33 =	vor.u32 v33, v34  }
0x2b: {  	[tilespmem:$0x10020] =	vst v33  }
0x2c: {  	v33 =	vld.idx.msk [tilespmem:v49+s2+$0x0], $0xffff;
	_ =	sdelay $0x4  }
0x2d: {  	v33 =	vadd.s32 s21, v33  }
0x2e: {  	v52 =	vor.u32 v4, v32;
	v51 =	vshll.u32 v33, $0x2  }
0x2f: {  	v53 =	vand.u32 $0xFFFFF000, v33;
	v33 =	vshrl.u32 v33, $0xA;
	v34 =	vand.u32 $0xFFC, v51  }
0x30: {  	v33 =	vand.u32 $0x3, v33;
	v34 =	vor.u32 v53, v34  }
0x31: {  	v33 =	vor.u32 v33, v34  }
0x32: {  	[tilespmem:$0x10030] =	vst v33  }
0x33: {  	v33 =	vld.idx.msk [tilespmem:v52+s2+$0x0], $0xffff;
	_ =	sdelay $0x4  }
0x34: {  	v33 =	vadd.s32 s21, v33  }
0x35: {  	v55 =	vor.u32 v5, v32;
	v54 =	vshll.u32 v33, $0x2  }
0x36: {  	v56 =	vand.u32 $0xFFFFF000, v33;
	v33 =	vshrl.u32 v33, $0xA;
	v34 =	vand.u32 $0xFFC, v54  }
0x37: {  	v33 =	vand.u32 $0x3, v33;
	v34 =	vor.u32 v56, v34  }
0x38: {  	v33 =	vor.u32 v33, v34  }
0x39: {  	[tilespmem:$0x10040] =	vst v33  }
0x3a: {  	v33 =	vld.idx.msk [tilespmem:v55+s2+$0x0], $0xffff;
	_ =	sdelay $0x4  }
0x3b: {  	v33 =	vadd.s32 s21, v33  }
0x3c: {  	v58 =	vor.u32 v6, v32;
	v57 =	vshll.u32 v33, $0x2  }
0x3d: {  	v59 =	vand.u32 $0xFFFFF000, v33;
	v33 =	vshrl.u32 v33, $0xA;
	v34 =	vand.u32 $0xFFC, v57  }
0x3e: {  	v33 =	vand.u32 $0x3, v33;
	v34 =	vor.u32 v59, v34  }
0x3f: {  	v33 =	vor.u32 v33, v34  }
0x40: {  	[tilespmem:$0x10050] =	vst v33  }
0x41: {  	v33 =	vld.idx.msk [tilespmem:v58+s2+$0x0], $0xffff;
	_ =	sdelay $0x4  }
0x42: {  	v33 =	vadd.s32 s21, v33  }
0x43: {  	v61 =	vor.u32 v7, v32;
	v60 =	vshll.u32 v33, $0x2  }
0x44: {  	v62 =	vand.u32 $0xFFFFF000, v33;
	v33 =	vshrl.u32 v33, $0xA;
	v34 =	vand.u32 $0xFFC, v60  }
0x45: {  	v33 =	vand.u32 $0x3, v33;
	v34 =	vor.u32 v62, v34  }
0x46: {  	v33 =	vor.u32 v33, v34  }
0x47: {  	[tilespmem:$0x10060] =	vst v33  }
0x48: {  	v33 =	vld.idx.msk [tilespmem:v61+s2+$0x0], $0xffff;
	_ =	sdelay $0x4  }
0x49: {  	v33 =	vadd.s32 s21, v33  }
0x4a: {  	v40 =	vor.u32 v8, v32;
	v63 =	vshll.u32 v33, $0x2  }
0x4b: {  	v41 =	vand.u32 $0xFFFFF000, v33;
	v33 =	vshrl.u32 v33, $0xA;
	v34 =	vand.u32 $0xFFC, v63  }
0x4c: {  	v33 =	vand.u32 $0x3, v33;
	v34 =	vor.u32 v41, v34  }
0x4d: {  	v33 =	vor.u32 v33, v34  }
0x4e: {  	[tilespmem:$0x10070] =	vst v33  }
0x4f: {  	v33 =	vld.idx.msk [tilespmem:v40+s2+$0x0], $0xffff;
	_ =	sdelay $0x4  }
0x50: {  	v33 =	vadd.s32 s21, v33  }
0x51: {  	v43 =	vor.u32 v9, v32;
	v42 =	vshll.u32 v33, $0x2  }
0x52: {  	v44 =	vand.u32 $0xFFFFF000, v33;
	v33 =	vshrl.u32 v33, $0xA;
	v34 =	vand.u32 $0xFFC, v42  }
0x53: {  	v33 =	vand.u32 $0x3, v33;
	v34 =	vor.u32 v44, v34  }
0x54: {  	v33 =	vor.u32 v33, v34  }
0x55: {  	[tilespmem:$0x10080] =	vst v33  }
0x56: {  	v33 =	vld.idx.msk [tilespmem:v43+s2+$0x0], $0xffff;
	_ =	sdelay $0x4  }
0x57: {  	v33 =	vadd.s32 s21, v33  }
0x58: {  	v46 =	vor.u32 v10, v32;
	v45 =	vshll.u32 v33, $0x2  }
0x59: {  	v47 =	vand.u32 $0xFFFFF000, v33;
	v33 =	vshrl.u32 v33, $0xA;
	v34 =	vand.u32 $0xFFC, v45  }
0x5a: {  	v33 =	vand.u32 $0x3, v33;
	v34 =	vor.u32 v47, v34  }
0x5b: {  	v33 =	vor.u32 v33, v34  }
0x5c: {  	[tilespmem:$0x10090] =	vst v33  }
0x5d: {  	v33 =	vld.idx.msk [tilespmem:v46+s2+$0x0], $0xffff;
	_ =	sdelay $0x4  }
0x5e: {  	v33 =	vadd.s32 s21, v33  }
0x5f: {  	v49 =	vor.u32 v11, v32;
	v48 =	vshll.u32 v33, $0x2  }
0x60: {  	v50 =	vand.u32 $0xFFFFF000, v33;
	v33 =	vshrl.u32 v33, $0xA;
	v34 =	vand.u32 $0xFFC, v48  }
0x61: {  	v33 =	vand.u32 $0x3, v33;
	v34 =	vor.u32 v50, v34  }
0x62: {  	v33 =	vor.u32 v33, v34  }
0x63: {  	[tilespmem:$0x100A0] =	vst v33  }
0x64: {  	v33 =	vld.idx.msk [tilespmem:v49+s2+$0x0], $0xffff;
	_ =	sdelay $0x4  }
0x65: {  	v33 =	vadd.s32 s21, v33  }
0x66: {  	v52 =	vor.u32 v12, v32;
	v51 =	vshll.u32 v33, $0x2  }
0x67: {  	v53 =	vand.u32 $0xFFFFF000, v33;
	v33 =	vshrl.u32 v33, $0xA;
	v34 =	vand.u32 $0xFFC, v51  }
0x68: {  	v33 =	vand.u32 $0x3, v33;
	v34 =	vor.u32 v53, v34  }
0x69: {  	v33 =	vor.u32 v33, v34  }
0x6a: {  	[tilespmem:$0x100B0] =	vst v33  }
0x6b: {  	v33 =	vld.idx.msk [tilespmem:v52+s2+$0x0], $0xffff;
	_ =	sdelay $0x4  }
0x6c: {  	v33 =	vadd.s32 s21, v33  }
0x6d: {  	v55 =	vor.u32 v13, v32;
	v54 =	vshll.u32 v33, $0x2  }
0x6e: {  	v56 =	vand.u32 $0xFFFFF000, v33;
	v33 =	vshrl.u32 v33, $0xA;
	v34 =	vand.u32 $0xFFC, v54  }
0x6f: {  	v33 =	vand.u32 $0x3, v33;
	v34 =	vor.u32 v56, v34  }
0x70: {  	v33 =	vor.u32 v33, v34  }
0x71: {  	[tilespmem:$0x100C0] =	vst v33  }
0x72: {  	v33 =	vld.idx.msk [tilespmem:v55+s2+$0x0], $0xffff;
	_ =	sdelay $0x4  }
0x73: {  	v33 =	vadd.s32 s21, v33  }
0x74: {  	v58 =	vor.u32 v14, v32;
	v57 =	vshll.u32 v33, $0x2  }
0x75: {  	v59 =	vand.u32 $0xFFFFF000, v33;
	v33 =	vshrl.u32 v33, $0xA;
	v34 =	vand.u32 $0xFFC, v57  }
0x76: {  	v33 =	vand.u32 $0x3, v33;
	v34 =	vor.u32 v59, v34  }
0x77: {  	v33 =	vor.u32 v33, v34  }
0x78: {  	[tilespmem:$0x100D0] =	vst v33  }
0x79: {  	v33 =	vld.idx.msk [tilespmem:v58+s2+$0x0], $0xffff;
	_ =	sdelay $0x4  }
0x7a: {  	v33 =	vadd.s32 s21, v33  }
0x7b: {  	v61 =	vor.u32 v15, v32;
	v60 =	vshll.u32 v33, $0x2  }
0x7c: {  	v62 =	vand.u32 $0xFFFFF000, v33;
	v33 =	vshrl.u32 v33, $0xA;
	v34 =	vand.u32 $0xFFC, v60  }
0x7d: {  	v33 =	vand.u32 $0x3, v33;
	v34 =	vor.u32 v62, v34  }
0x7e: {  	v33 =	vor.u32 v33, v34  }
0x7f: {  	[tilespmem:$0x100E0] =	vst v33  }
0x80: {  	v33 =	vld.idx.msk [tilespmem:v61+s2+$0x0], $0xffff;
	_ =	sdelay $0x4  }
0x81: {  	v33 =	vadd.s32 s21, v33  }
0x82: {  	v40 =	vor.u32 v16, v32;
	v63 =	vshll.u32 v33, $0x2  }
0x83: {  	v41 =	vand.u32 $0xFFFFF000, v33;
	v33 =	vshrl.u32 v33, $0xA;
	v34 =	vand.u32 $0xFFC, v63  }
0x84: {  	v33 =	vand.u32 $0x3, v33;
	v34 =	vor.u32 v41, v34  }
0x85: {  	v33 =	vor.u32 v33, v34  }
0x86: {  	[tilespmem:$0x100F0] =	vst v33  }
0x87: {  	v33 =	vld.idx.msk [tilespmem:v40+s2+$0x0], $0xffff;
	_ =	sdelay $0x4  }
0x88: {  	v33 =	vadd.s32 s21, v33  }
0x89: {  	v43 =	vor.u32 v17, v32;
	v42 =	vshll.u32 v33, $0x2  }
0x8a: {  	v44 =	vand.u32 $0xFFFFF000, v33;
	v33 =	vshrl.u32 v33, $0xA;
	v34 =	vand.u32 $0xFFC, v42  }
0x8b: {  	v33 =	vand.u32 $0x3, v33;
	v34 =	vor.u32 v44, v34  }
0x8c: {  	v33 =	vor.u32 v33, v34  }
0x8d: {  	[tilespmem:$0x10100] =	vst v33  }
0x8e: {  	v33 =	vld.idx.msk [tilespmem:v43+s2+$0x0], $0xffff;
	_ =	sdelay $0x4  }
0x8f: {  	v33 =	vadd.s32 s21, v33  }
0x90: {  	v46 =	vor.u32 v18, v32;
	v45 =	vshll.u32 v33, $0x2  }
0x91: {  	v47 =	vand.u32 $0xFFFFF000, v33;
	v33 =	vshrl.u32 v33, $0xA;
	v34 =	vand.u32 $0xFFC, v45  }
0x92: {  	v33 =	vand.u32 $0x3, v33;
	v34 =	vor.u32 v47, v34  }
0x93: {  	v33 =	vor.u32 v33, v34  }
0x94: {  	[tilespmem:$0x10110] =	vst v33  }
0x95: {  	v33 =	vld.idx.msk [tilespmem:v46+s2+$0x0], $0xffff;
	_ =	sdelay $0x4  }
0x96: {  	v33 =	vadd.s32 s21, v33  }
0x97: {  	v49 =	vor.u32 v19, v32;
	v48 =	vshll.u32 v33, $0x2  }
0x98: {  	v50 =	vand.u32 $0xFFFFF000, v33;
	v33 =	vshrl.u32 v33, $0xA;
	v34 =	vand.u32 $0xFFC, v48  }
0x99: {  	v33 =	vand.u32 $0x3, v33;
	v34 =	vor.u32 v50, v34  }
0x9a: {  	v33 =	vor.u32 v33, v34  }
0x9b: {  	[tilespmem:$0x10120] =	vst v33  }
0x9c: {  	v33 =	vld.idx.msk [tilespmem:v49+s2+$0x0], $0xffff;
	_ =	sdelay $0x4  }
0x9d: {  	v33 =	vadd.s32 s21, v33  }
0x9e: {  	v52 =	vor.u32 v20, v32;
	v51 =	vshll.u32 v33, $0x2  }
0x9f: {  	v53 =	vand.u32 $0xFFFFF000, v33;
	v33 =	vshrl.u32 v33, $0xA;
	v34 =	vand.u32 $0xFFC, v51  }
0xa0: {  	v33 =	vand.u32 $0x3, v33;
	v34 =	vor.u32 v53, v34  }
0xa1: {  	v33 =	vor.u32 v33, v34  }
0xa2: {  	[tilespmem:$0x10130] =	vst v33  }
0xa3: {  	v33 =	vld.idx.msk [tilespmem:v52+s2+$0x0], $0xffff;
	_ =	sdelay $0x4  }
0xa4: {  	v33 =	vadd.s32 s21, v33  }
0xa5: {  	v55 =	vor.u32 v21, v32;
	v54 =	vshll.u32 v33, $0x2  }
0xa6: {  	v56 =	vand.u32 $0xFFFFF000, v33;
	v33 =	vshrl.u32 v33, $0xA;
	v34 =	vand.u32 $0xFFC, v54  }
0xa7: {  	v33 =	vand.u32 $0x3, v33;
	v34 =	vor.u32 v56, v34  }
0xa8: {  	v33 =	vor.u32 v33, v34  }
0xa9: {  	[tilespmem:$0x10140] =	vst v33  }
0xaa: {  	v33 =	vld.idx.msk [tilespmem:v55+s2+$0x0], $0xffff;
	_ =	sdelay $0x4  }
0xab: {  	v33 =	vadd.s32 s21, v33  }
0xac: {  	v58 =	vor.u32 v22, v32;
	v57 =	vshll.u32 v33, $0x2  }
0xad: {  	v59 =	vand.u32 $0xFFFFF000, v33;
	v33 =	vshrl.u32 v33, $0xA;
	v34 =	vand.u32 $0xFFC, v57  }
0xae: {  	v33 =	vand.u32 $0x3, v33;
	v34 =	vor.u32 v59, v34  }
0xaf: {  	v33 =	vor.u32 v33, v34  }
0xb0: {  	[tilespmem:$0x10150] =	vst v33  }
0xb1: {  	v33 =	vld.idx.msk [tilespmem:v58+s2+$0x0], $0xffff;
	_ =	sdelay $0x4  }
0xb2: {  	v33 =	vadd.s32 s21, v33  }
0xb3: {  	v61 =	vor.u32 v23, v32;
	v60 =	vshll.u32 v33, $0x2  }
0xb4: {  	v62 =	vand.u32 $0xFFFFF000, v33;
	v33 =	vshrl.u32 v33, $0xA;
	v34 =	vand.u32 $0xFFC, v60  }
0xb5: {  	v33 =	vand.u32 $0x3, v33;
	v34 =	vor.u32 v62, v34  }
0xb6: {  	v33 =	vor.u32 v33, v34  }
0xb7: {  	[tilespmem:$0x10160] =	vst v33  }
0xb8: {  	v33 =	vld.idx.msk [tilespmem:v61+s2+$0x0], $0xffff;
	_ =	sdelay $0x4  }
0xb9: {  	v33 =	vadd.s32 s21, v33  }
0xba: {  	v40 =	vor.u32 v24, v32;
	v63 =	vshll.u32 v33, $0x2  }
0xbb: {  	v41 =	vand.u32 $0xFFFFF000, v33;
	v33 =	vshrl.u32 v33, $0xA;
	v34 =	vand.u32 $0xFFC, v63  }
0xbc: {  	v33 =	vand.u32 $0x3, v33;
	v34 =	vor.u32 v41, v34  }
0xbd: {  	v33 =	vor.u32 v33, v34  }
0xbe: {  	[tilespmem:$0x10170] =	vst v33  }
0xbf: {  	v33 =	vld.idx.msk [tilespmem:v40+s2+$0x0], $0xffff;
	_ =	sdelay $0x4  }
0xc0: {  	v33 =	vadd.s32 s21, v33  }
0xc1: {  	v43 =	vor.u32 v25, v32;
	v42 =	vshll.u32 v33, $0x2  }
0xc2: {  	v44 =	vand.u32 $0xFFFFF000, v33;
	v33 =	vshrl.u32 v33, $0xA;
	v34 =	vand.u32 $0xFFC, v42  }
0xc3: {  	v33 =	vand.u32 $0x3, v33;
	v34 =	vor.u32 v44, v34  }
0xc4: {  	v33 =	vor.u32 v33, v34  }
0xc5: {  	[tilespmem:$0x10180] =	vst v33  }
0xc6: {  	v33 =	vld.idx.msk [tilespmem:v43+s2+$0x0], $0xffff;
	_ =	sdelay $0x4  }
0xc7: {  	v33 =	vadd.s32 s21, v33  }
0xc8: {  	v46 =	vor.u32 v26, v32;
	v45 =	vshll.u32 v33, $0x2  }
0xc9: {  	v47 =	vand.u32 $0xFFFFF000, v33;
	v33 =	vshrl.u32 v33, $0xA;
	v34 =	vand.u32 $0xFFC, v45  }
0xca: {  	v33 =	vand.u32 $0x3, v33;
	v34 =	vor.u32 v47, v34  }
0xcb: {  	v33 =	vor.u32 v33, v34  }
0xcc: {  	[tilespmem:$0x10190] =	vst v33  }
0xcd: {  	v33 =	vld.idx.msk [tilespmem:v46+s2+$0x0], $0xffff;
	_ =	sdelay $0x4  }
0xce: {  	v33 =	vadd.s32 s21, v33  }
0xcf: {  	v49 =	vor.u32 v27, v32;
	v48 =	vshll.u32 v33, $0x2  }
0xd0: {  	v50 =	vand.u32 $0xFFFFF000, v33;
	v33 =	vshrl.u32 v33, $0xA;
	v34 =	vand.u32 $0xFFC, v48  }
0xd1: {  	v33 =	vand.u32 $0x3, v33;
	v34 =	vor.u32 v50, v34  }
0xd2: {  	v33 =	vor.u32 v33, v34  }
0xd3: {  	[tilespmem:$0x101A0] =	vst v33  }
0xd4: {  	v33 =	vld.idx.msk [tilespmem:v49+s2+$0x0], $0xffff;
	_ =	sdelay $0x4  }
0xd5: {  	v33 =	vadd.s32 s21, v33  }
0xd6: {  	v52 =	vor.u32 v28, v32;
	v51 =	vshll.u32 v33, $0x2  }
0xd7: {  	v53 =	vand.u32 $0xFFFFF000, v33;
	v33 =	vshrl.u32 v33, $0xA;
	v34 =	vand.u32 $0xFFC, v51  }
0xd8: {  	v33 =	vand.u32 $0x3, v33;
	v34 =	vor.u32 v53, v34  }
0xd9: {  	v33 =	vor.u32 v33, v34  }
0xda: {  	[tilespmem:$0x101B0] =	vst v33  }
0xdb: {  	v33 =	vld.idx.msk [tilespmem:v52+s2+$0x0], $0xffff;
	_ =	sdelay $0x4  }
0xdc: {  	v33 =	vadd.s32 s21, v33  }
0xdd: {  	v55 =	vor.u32 v29, v32;
	v54 =	vshll.u32 v33, $0x2  }
0xde: {  	v56 =	vand.u32 $0xFFFFF000, v33;
	v33 =	vshrl.u32 v33, $0xA;
	v34 =	vand.u32 $0xFFC, v54  }
0xdf: {  	v33 =	vand.u32 $0x3, v33;
	v34 =	vor.u32 v56, v34  }
0xe0: {  	v33 =	vor.u32 v33, v34  }
0xe1: {  	[tilespmem:$0x101C0] =	vst v33  }
0xe2: {  	v33 =	vld.idx.msk [tilespmem:v55+s2+$0x0], $0xffff;
	_ =	sdelay $0x4  }
0xe3: {  	v33 =	vadd.s32 s21, v33  }
0xe4: {  	v58 =	vor.u32 v30, v32;
	v57 =	vshll.u32 v33, $0x2  }
0xe5: {  	v59 =	vand.u32 $0xFFFFF000, v33;
	v33 =	vshrl.u32 v33, $0xA;
	v34 =	vand.u32 $0xFFC, v57  }
0xe6: {  	v33 =	vand.u32 $0x3, v33;
	v34 =	vor.u32 v59, v34  }
0xe7: {  	v33 =	vor.u32 v33, v34  }
0xe8: {  	[tilespmem:$0x101D0] =	vst v33  }
0xe9: {  	v33 =	vld.idx.msk [tilespmem:v58+s2+$0x0], $0xffff;
	_ =	sdelay $0x4  }
0xea: {  	v33 =	vadd.s32 s21, v33  }
0xeb: {  	v32 =	vor.u32 v31, v32;
	v60 =	vshll.u32 v33, $0x2  }
0xec: {  	v61 =	vand.u32 $0xFFFFF000, v33;
	v33 =	vshrl.u32 v33, $0xA;
	v34 =	vand.u32 $0xFFC, v60  }
0xed: {  	v33 =	vand.u32 $0x3, v33;
	v34 =	vor.u32 v61, v34  }
0xee: {  	v33 =	vor.u32 v33, v34  }
0xef: {  	[tilespmem:$0x101E0] =	vst v33  }
0xf0: {  	v32 =	vld.idx.msk [tilespmem:v32+s2+$0x0], $0xffff;
	_ =	sdelay $0x4  }
0xf1: {  	v32 =	vadd.s32 s21, v32  }
0xf2: {  	v62 =	vshll.u32 v32, $0x2  }
0xf3: {  	v63 =	vand.u32 $0xFFFFF000, v32;
	v32 =	vshrl.u32 v32, $0xA;
	v33 =	vand.u32 $0xFFC, v62  }
0xf4: {  	v32 =	vand.u32 $0x3, v32;
	v33 =	vor.u32 v63, v33  }
0xf5: {  	v32 =	vor.u32 v32, v33  }
0xf6: {  	[tilespmem:$0x101F0] =	vst v32  }
0xf7: {  	[tilespmem:s10], [sflag:$0x1] =	stream.indirect.gather [hbm4b:s3+s8], $0x20, s9, s8, $0xb8;
	[tilespmem:$0x14200] =	vst v63  }
0xf8: {  	_ = 	snop  }
0xf9: {  	[tilespmem:s12], [sflag:$0x1] =	stream.indirect.gather [hbm4b:s3+s8], $0x20, s11, s8, $0xb8;
	[tilespmem:$0x14200] =	vst v63  }
0xfa: {  	_ = 	snop  }
0xfb: {  	[tilespmem:s14], [sflag:$0x1] =	stream.indirect.gather [hbm4b:s3+s8], $0x20, s13, s8, $0xb8;
	[tilespmem:$0x14200] =	vst v63  }
0xfc: {  	_ = 	snop  }
0xfd: {  	[tilespmem:s16], [sflag:$0x1] =	stream.indirect.gather [hbm4b:s3+s8], $0x20, s15, s8, $0xb8;
	[tilespmem:$0x14200] =	vst v63  }
0xfe: {  	_ =	swait.ge [sflag:s17], $0x1000  }
0xff: {  	[sflag:s17] =	ssyncset.done $0x0  }
0x100: {  	[sflag:s17] =	ssyncadd.s32 $0xFFFFF000  }
0x101: {  	_ =	swait.ge [sflag:s17], $0x1000  }
0x102: {  	[sflag:s17] =	ssyncset.done $0x0  }
0x103: {  	[sflag:s17] =	ssyncadd.s32 $0xFFFFF000  }
0x104: {  	_ =	swait.ge [sflag:s17], $0x1000  }
0x105: {  	[sflag:s17] =	ssyncset.done $0x0  }
0x106: {  	[sflag:s17] =	ssyncadd.s32 $0xFFFFF000  }
0x107: {  	_ =	swait.ge [sflag:s17], $0x1000  }
0x108: {  	p0 =	sne.s32 s23, $0x19;
	[sflag:s17] =	ssyncset.done $0x0  }
.Ltmp0:
0x109: {  	[sflag:s17] =	ssyncadd.s32 $0xFFFFF000;
	(pc) =	sbr.rel @p0 .LBB2_2-.Ltmp0, $4  }
0x10a: {  	[hbm4b:s22+s18] =	stream.strided.scatter [tilespmem:s10], [sflag:$0x2], $0x4000, s19, s18, $0x38;
	[tilespmem:$0x14200] =	vst v63  }
0x10b: {  	_ =	swait.ge [sflag:s7], $0x4000  }
0x10c: {  	s23 =	sadd.s32 $0x1, s23;
	[sflag:s7] =	ssyncset.done $0x0  }
0x10d: {  	s21 =	sadd.s32 $0x186A0, s21;
	s22 =	sadd.s32 $0x4, s22;
	[sflag:s7] =	ssyncadd.s32 $0xFFFFC000  }
0x10e: {  	s20 =	sadd.s32 $0x1, s20  }
0x10f: {  	p0 =	sne.s32 s20, s5  }
.Ltmp1:
0x110: {  	_ = 	snop;
	(pc) =	sbr.rel @p0 .LBB2_1-.Ltmp1, $1  }
0x111: {  	_ =	sdelay $0x3  }
0x112: {  	_ =	sfence.sel $0x180000  }
0x113: {  	[bflag:$0x0] =	sbarrier.arrive $0xFFFF  }
0x114: {  	p0 =	sne.s32 s1, $0x0;
	_ =	strace $0x90000047  }
0x115: {  	s0 =	sadd.s32 @!p0 $0x100000, s0;
	[bflag:$0x2] =	sbarrier.arrive $0xFFFF  }
0x116: {  	[sflag:s0] =	ssyncadd.tile.s32 @!p0 $0x1;
	_ =	shalt  }
.Lfunc_end2:
_tile_overlayer_lowered:
.L_overlay_start_2:
0x117: {  	(tag) =	ssettag $0x2  }
0x118: {  	s0 =	rddreg [dreg:$0x0];
	s2 =	stileid.u32  }
0x119: {  	s1 =	rddreg [dreg:$0x1];
	p0 =	sne.s32 s2, $0x0  }
0x11a: {  	s3 =	rddreg [dreg:$0x2];
	[bflag:$0x3] =	sbarrier.arrive $0xFFFF;
	s2 =	simm.s32 @!p0 $0x1C02  }
0x11b: {  	[timem:s3], [sflag:s2] =	dma.local @!p0 [hbm:s0], s1  }
0x11c: {  	s0 =	simm.s32 @!p0 $0x2  }
0x11d: {  	_ =	swait.ge @!p0 [sflag:s0], s1  }
0x11e: {  	s1 =	ssub.s32 @!p0 $0x0, s1;
	[sflag:s0] =	ssyncset.done @!p0 $0x0  }
0x11f: {  	[sflag:s0] =	ssyncadd.s32 @!p0 s1  }
0x120: {  	[bflag:$0x3] =	sbarrier.arrive $0xFFFF  }
0x121: {  	_ =	shalt  }

// kernel: sparse-core-data-format-call.cloned.1.call-start
scs
called_computation_lowered:
.L_overlay_start_0:
0x0: {  	s2 =	sld [smem:$0x3FD9]  }
0x1: {  	s3 =	sld [smem:$0x3FFE];
	_ =	sdelay $0x1  }
0x2: {  	s1 =	srdreg.scid  }
0x3: {  	s0 =	sand.u32 $0x1, s1  }
0x4: {  	s18 =	sshll.u32 s0, $0xA;
	s2 =	sadd.s32 s3, s2  }
0x5: {  	s2 =	sadd.s32 s2, s18  }
0x6: {  	[smem:$0x3FC6] =	sst s2  }
0x7: {  	_ = 	snop  }
0x8: {  	s2 =	sld [smem:$0x3FD0];
	(tm) =	ssettm $0x1  }
0x9: {  	s19 =	sld [smem:$0x3FFB];
	_ =	sdelay $0x3  }
0xa: {  	_ =	strace s19  }
0xb: {  	s3 =	sld [smem:$0x3FFC];
	_ =	sdelay $0x3  }
0xc: {  	_ =	strace s3  }
0xd: {  	s3 =	sld [smem:$0x3FFD];
	_ =	sdelay $0x3  }
0xe: {  	_ =	strace s3  }
0xf: {  	_ =	strace $0x8FFFFFFF  }
0x10: {  	s20 =	sld [smem:$0x3FDB];
	_ =	sdelay $0x1  }
0x11: {  	s4 =	simm.s32 $_scs_section_size  }
0x12: {  	s5 =	simm.s32 $_size__tile_overlayer_lowered;
	s6 =	simm.s32 $_tile_overlayer_lowered  }
0x13: {  	s23 =	simm.s32 $0x1BFF;
	s22 =	sshll.u32 s6, $0x1;
	s3 =	sadd.s32 s4, s20  }
0x14: {  	s7 =	simm.s32 $0x0;
	s21 =	sshll.u32 s5, $0x1;
	s5 =	sadd.s32 s22, s3  }
0x15: {  	[timem:s7], [sflag:s23] =	dma.local [hbm:s5], s21  }
0x16: {  	_ =	swait.ge [sflag:s23], s21  }
0x17: {  	s4 =	ssub.s32 $0x0, s21;
	[sflag:s23] =	ssyncset.done $0x0  }
0x18: {  	[sflag:s23] =	ssyncadd.s32 s4;
	_ =	sdelay $0x1  }
0x19: {  	s24 =	simm.s32 $0x1B8B  }
0x1a: {  	_ =	swait.ge [sflag:s24], $0x1  }
0x1b: {  	[sflag:s24] =	ssyncset.done $0x0  }
0x1c: {  	s26 =	simm.s32 $0x1B8E;
	s25 =	sld [smem:$0x3FFE];
	[sflag:s24] =	ssyncadd.s32 $0xFFFFFFFF  }
0x1d: {  	s27 =	simm.s32 $execute0_lowered;
	[smem:$0x3FD2] =	sst s26  }
0x1e: {  	s5 =	sshll.u32 s27, $0x1;
	_ =	strace $0x80000049;
	[dreg:$0x1] =	wrdreg $0xFFFFFFFF  }
0x1f: {  	s28 =	simm.s32 $_size_execute0_lowered;
	s3 =	sadd.s32 s3, s5;
	[dreg:$0x0] =	wrdreg $0x0  }
0x20: {  	s5 =	sshll.u32 s28, $0x1;
	[dreg:$0x2] =	wrdreg s3  }
0x21: {  	[dreg:$0x3] =	wrdreg s5  }
0x22: {  	[dreg:$0x4] =	wrdreg $0xC0  }
0x23: {  	_ =	task [dreg:s7], $0x5FFFF  }
0x24: {  	[dreg:$0x1] =	wrdreg $0xFFFFFFFF  }
0x25: {  	[dreg:$0x0] =	wrdreg $0x60  }
0x26: {  	[dreg:$0x2] =	wrdreg s25  }
0x27: {  	[dreg:$0x3] =	wrdreg s2  }
0x28: {  	[dreg:$0x4] =	wrdreg $0x9  }
0x29: {  	_ =	task.clear_ibuf [dreg:s7], $0x5FFFF;
	_ =	strace $0x90000049  }
0x2a: {  	s29 =	simm.s32 $0x9;
	_ =	strace $0x8000004B  }
0x2b: {  	_ =	swait.ge [sflag:s29], $0x1  }
0x2c: {  	[sflag:s29] =	ssyncadd.s32 $0xFFFFFFFF  }
0x2d: {  	_ =	strace $0x9000004B  }
0x2e: {  	_ =	sfence  }
0x2f: {  	s30 =	sld [smem:$0x0];
	_ =	sdelay $0x2  }
0x30: {  	s31 =	sshll.u32 s1, $0xD;
	s1 =	sshrl.u32 s1, $0x2  }
0x31: {  	s3 =	sand.u32 $0x4000, s31;
	s1 =	sadd.s32 s1, s30  }
0x32: {  	s0 =	sor.u32 s3, s0;
	s1 =	sshll.u32 s1, $0x11  }
0x33: {  	s0 =	sor.u32 s1, s0  }
0x34: {  	s0 =	sadd.s32 $0x8F2B, s0  }
0x35: {  	[sflag:s0] =	ssyncadd.remote.s32 $0x1  }
0x36: {  	_ =	sfence.sel $0xFFFF  }
0x37: {  	[dreg:$0x0] =	wrdreg $0xFFFFFFFF;
	(pc) =	sbr.abs _section_cstart, $3  }
0x38: {  	[dreg:$0x1] =	wrdreg $0xFFFFFFFF  }
0x39: {  	_ =	task.clear_ibuf [dreg:s7], $0x2FFFF;
	_ =	strace $0x9FFFFFFF  }
0x3a: {  	(tm) =	ssettm $0x7FFFFFFF  }
0x3b: {  	_ =	shalt  }
tec
execute0_lowered:
.L_overlay_start_1:
0x0: {  	(tag) =	ssettag $0x1  }
0x1: {  	s0 =	srdreg.scid  }
0x2: {  	s1 =	sshll.u32 s0, $0x4  }
0x3: {  	s0 =	stileid.u32;
	s1 =	sand.u32 $0x10, s1  }
0x4: {  	s1 =	sor.u32 s0, s1  }
0x5: {  	s6 =	rddreg [dreg:$0x0];
	s4 =	simm.s32 $0x1;
	s2 =	sshll.u32 s1, $0x7  }
0x6: {  	s7 =	simm.s32 $0x2;
	s12 =	simm.s32 $0x0;
	s1 =	ssub.s32 $0x4000, s2  }
0x7: {  	s8 =	simm.s32 $0x20000;
	s13 =	simm.s32 $0x0;
	s3 =	sand.u32 $0xF80, s1  }
0x8: {  	s9 =	simm.s32 $0x0;
	s5 =	sshrl.u32 s1, $0xC;
	p0 =	sne.s32 s3, $0x0  }
.Ltmp0:
0x9: {  	s1 =	rddreg [dreg:$0x2];
	s4 =	simm.s32 @!p0 $0x0;
	(pc) =	sbr.rel .LBB1_1-.Ltmp0, $4  }
0xa: {  	s11 =	simm.s32 $0x0;
	s3 =	rddreg [dreg:$0x1];
	s5 =	sadd.s32 s4, s5  }
0xb: {  	_ =	strace $0x8000004A;
	s4 =	simm.s32 $0x1;
	s5 =	smul.u32 $0x1A, s5  }
0xc: {  	s6 =	sadd.s32 $0x1200, s6;
	s10 =	smov.u32 s2;
	[sflag:s4] =	ssyncpa.u1 $0x0  }
0xd: {  	p0 =	por $0x0, $0x0;
	[sflag:s7] =	ssyncpa.u1 $0x0;
	s7 =	sor.u32 $0x1, s5  }
.LBB1_4:
0xe: {  	s16 =	sshll.u32 s13, $0x3;
	s17 =	sand.u32 $0x78, s13  }
0xf: {  	s30 =	sand.u32 $0xF800, s13;
	s12 =	sshll.u32 s12, $0x10;
	s16 =	sand.u32 $0x3C00, s16  }
0x10: {  	s31 =	sand.u32 $0x7, s13;
	s16 =	sor.u32 s17, s16;
	s17 =	sadd.s32 s3, s30  }
0x11: {  	s13 =	sshll.u32 s31, $0x12;
	s16 =	sshrl.u32 s16, $0x3;
	s12 =	sadd.s32 s12, s17  }
0x12: {  	[tilespmem:s15+$0x0 ss:$0x81] =	vst.msk $0xffff, v0;
	s13 =	sor.u32 $0x400, s13;
	s12 =	sadd.s32 s16, s12  }
0x13: {  	[hbm4b:s12+s13] =	stream.strided.scatter [tilespmem:s14], [sflag:$0x2], $0x1000, s8, s13, $0x20;
	[tilespmem:$0x4040] =	vst v63  }
.LBB1_5:
0x14: {  	s14 =	sadd.s32 $0x1, s9  }
0x15: {  	s12 =	sadd.s32 $0x1000, s10;
	s16 =	smov.u32 s10;
	p2 =	sgt.s32 s14, $0x19  }
0x16: {  	s16 =	smov.u32 @p2 s12  }
0x17: {  	s14 =	simm.s32 @p2 $0x0;
	p2 =	sgt.s32 s16, $0x3FFF  }
0x18: {  	s16 =	smov.u32 @p2 s2;
	p2 =	sne.s32 s11, s7  }
.Ltmp1:
0x19: {  	p1 =	slt.u32 s11, $0x2;
	(pc) =	sbr.rel @!p2 .LBB1_6-.Ltmp1, $4  }
0x1a: {  	s15 =	simm.s32 @!p1 $0x2  }
0x1b: {  	s13 =	smov.u32 s10;
	p0 =	por !p0, !p0;
	_ =	swait.ge @!p1 [sflag:s15], $0x1000  }
0x1c: {  	s12 =	smov.u32 s9;
	[sflag:s15] =	ssyncset.done @!p1 $0x0;
	s9 =	smov.u32 s14  }
0x1d: {  	s11 =	sadd.s32 $0x1, s11;
	[sflag:s15] =	ssyncadd.s32 @!p1 $0xFFFFF000;
	s10 =	smov.u32 s16  }
.LBB1_1:
0x1e: {  	p1 =	sge.u32 s11, s5  }
0x1f: {  	s31 =	sadd.s32 $0xFFFFFFFF, s11;
	s14 =	sxor.u32 @!p1 $0xFFFFFFFF, s11  }
0x20: {  	s15 =	sshll.u32 @!p1 s10, $0x9;
	s16 =	sshll.u32 @!p1 s9, $0x4;
	s17 =	simm.s32 @!p1 $0x1000  }
0x21: {  	s14 =	sshll.u32 @!p1 s14, $0xC;
	s16 =	sand.u32 @!p1 $0x1F0, s16;
	s15 =	sadd.s32 @!p1 s6, s15  }
0x22: {  	s14 =	sand.u32 @!p1 $0x1000, s14;
	s15 =	sadd.s32 @!p1 s16, s15;
	s16 =	simm.s32 @!p1 $0x20  }
0x23: {  	[tilespmem:s14], [sflag:$0x1] =	stream.strided.gather @!p1 [hbm4b:s15+s16], $0x1000, s17, s16, $0x38;
	[tilespmem:$0x4040] =	vst v63  }
0x24: {  	p1 =	sge.u32 s31, s5  }
.Ltmp2:
0x25: {  	_ = 	snop;
	(pc) =	sbr.rel @p1 .LBB1_5-.Ltmp2, $1  }
0x26: {  	_ =	sdelay $0x3  }
0x27: {  	s14 =	simm.s32 $0x1  }
0x28: {  	_ =	swait.ge [sflag:s4], $0x1000;
	s14 =	simm.s32 @!p0 $0x0  }
0x29: {  	[sflag:s4] =	ssyncset.done $0x0;
	s15 =	sshll.u32 s14, $0xC  }
0x2a: {  	[sflag:s4] =	ssyncadd.s32 $0xFFFFF000;
	s18 =	sor.u32 $0x10, s15  }
0x2b: {  	s14 =	smul.u32 $0x4080, s14;
	v1 =	vld [tilespmem:s18+$0x0]  }
0x2c: {  	s30 =	sand.u32 $0x1, s11;
	v0 =	vld [tilespmem:s18+$0xFFFFFFF0]  }
0x2d: {  	s15 =	smul.u32 $0x4080, s30;
	s14 =	sshrl.u32 s14, $0x2  }
0x2e: {  	s16 =	sor.u32 $0x2000, s14  }
0x2f: {  	s31 =	sshrl.u32 s15, $0x2;
	s15 =	sadd.s32 $0x0, s16  }
0x30: {  	s17 =	simm.s32 $0x4;
	s18 =	sadd.s32 $0x20, s18;
	s14 =	sor.u32 $0x2000, s31;
	[tilespmem:s15+$0x810 ss:$0x81] =	vst.msk $0xffff, v1  }
.LBB1_3:
0x31: {  	v1 =	vld [tilespmem:s18+$0x0];
	p1 =	sne.s32 s17, $0x1FC;
	[tilespmem:s15+$0x0 ss:$0x81] =	vst.msk $0xffff, v0;
	s15 =	smov.u32 s17;
	s17 =	sadd.s32 $0x4, s17  }
.Ltmp3:
0x32: {  	v0 =	vld [tilespmem:s18+$0xFFFFFFF0];
	(pc) =	sbr.rel @p1 .LBB1_3-.Ltmp3, $4  }
0x33: {  	_ = 	snop  }
0x34: {  	s15 =	sshra.s32 s15, $0x2  }
0x35: {  	s15 =	sadd.s32 s15, s16  }
0x36: {  	s18 =	sadd.s32 $0x20, s18;
	[tilespmem:s15+$0x810 ss:$0x81] =	vst.msk $0xffff, v1  }
.Ltmp4:
0x37: {  	_ = 	snop;
	(pc) =	sbr.rel .LBB1_4-.Ltmp4, $1  }
0x38: {  	_ =	sdelay $0x3  }
.LBB1_6:
0x39: {  	_ =	sfence.sel $0x180000  }
0x3a: {  	s2 =	simm.s32 $0x1;
	[bflag:$0x0] =	sbarrier.arrive $0xFFFF  }
0x3b: {  	s31 =	simm.s32 $0x2;
	[sflag:s2] =	ssyncpa.u1 $0x1  }
0x3c: {  	[sflag:s31] =	ssyncpa.u1 $0x1  }
0x3d: {  	p0 =	sne.s32 s0, $0x0;
	_ =	strace $0x9000004A  }
0x3e: {  	s0 =	sadd.s32 @!p0 $0x100000, s1;
	[bflag:$0x2] =	sbarrier.arrive $0xFFFF  }
0x3f: {  	[sflag:s0] =	ssyncadd.tile.s32 @!p0 $0x1;
	_ =	shalt  }
.Lfunc_end1:
_tile_overlayer_lowered:
.L_overlay_start_2:
0x40: {  	(tag) =	ssettag $0x2  }
0x41: {  	s0 =	rddreg [dreg:$0x0];
	s2 =	stileid.u32  }
0x42: {  	s1 =	rddreg [dreg:$0x1];
	p0 =	sne.s32 s2, $0x0  }
0x43: {  	s3 =	rddreg [dreg:$0x2];
	[bflag:$0x3] =	sbarrier.arrive $0xFFFF;
	s2 =	simm.s32 @!p0 $0x1C01  }
0x44: {  	[timem:s3], [sflag:s2] =	dma.local @!p0 [hbm:s0], s1  }
0x45: {  	s0 =	simm.s32 @!p0 $0x1  }
0x46: {  	_ =	swait.ge @!p0 [sflag:s0], s1  }
0x47: {  	s1 =	ssub.s32 @!p0 $0x0, s1;
	[sflag:s0] =	ssyncset.done @!p0 $0x0  }
0x48: {  	[sflag:s0] =	ssyncadd.s32 @!p0 s1  }
0x49: {  	[bflag:$0x3] =	sbarrier.arrive $0xFFFF  }
0x4a: {  	_ =	shalt  }

</sc_bundles>
